<compile_context>
chip_gen: v7x
topology: tpu7x:2x2x1
jax: 0.10.2.dev20260603
libtpu: 0.0.44.dev20260713+nightly
codegen_flags: <defaults>
</compile_context>

<pallas_src>
import functools

import jax
import jax.numpy as jnp
import numpy as np
from jax import lax
from jax.experimental import pallas as pl
from jax.experimental.pallas import tpu as pltpu
from jax.experimental.pallas import tpu_sc as plsc

_B, _M, _R = 16, 128, 3
_L = 16
_NCH = _M // _L
_NEG = np.float32(-np.inf)
_BIG = np.int32(2**30)


def _iota():
    return lax.iota(jnp.int32, _L)


def _splat_i32(x):
    return jnp.full((_L,), x, jnp.int32)


def _store1_f32(ref, posv, val):
    plsc.store_scatter(ref, [posv], jnp.full((_L,), val, jnp.float32),
                       mask=_iota() == 0)


def _store1_i32(ref, posv, valv):
    plsc.store_scatter(ref, [posv], valv, mask=_iota() == 0)


@functools.partial(
    pl.kernel,
    out_type=[
        jax.ShapeDtypeStruct((_B, _L), jnp.float32),
        jax.ShapeDtypeStruct((_B, _M * _R), jnp.int32),
    ],
    mesh=plsc.VectorSubcoreMesh(core_axis_name="c", subcore_axis_name="s"),
    compiler_params=pltpu.CompilerParams(needs_layout_passes=False),
    scratch_types=[
        pltpu.VMEM((_R * _M * _M,), jnp.float32),
        pltpu.VMEM((_M * _M,), jnp.float32),
        pltpu.VMEM((_M,), jnp.float32),
        pltpu.VMEM((_M,), jnp.int32),
        pltpu.VMEM((_M,), jnp.int32),
        pltpu.VMEM((_M,), jnp.int32),
        pltpu.VMEM((_M * _R,), jnp.int32),
        pltpu.VMEM((_L,), jnp.float32),
    ],
)
def _mst_sc(in_hbm, en_hbm, ed_hbm,
            raw, vmax, rowb, rowp, lab, dm, edloc, enloc):
    wid = lax.axis_index("s") * 2 + lax.axis_index("c")

    @pl.when(wid < _B)
    def _body():
        b = wid
        iota = _iota()
        pltpu.sync_copy(in_hbm.at[b], raw)

        def init_row(i, _):
            m = jnp.full((_L,), _NEG)
            ja = jnp.zeros((_L,), jnp.int32)
            for c in range(_NCH):
                base = i * _M + c * _L
                v0 = raw[pl.ds(base, _L)]
                v1 = raw[pl.ds(_M * _M + base, _L)]
                v2 = raw[pl.ds(2 * _M * _M + base, _L)]
                best = jnp.maximum(jnp.maximum(v0, v1), v2)
                vmax[pl.ds(base, _L)] = best
                u = best > m
                m = jnp.where(u, best, m)
                ja = jnp.where(u, c * _L + iota, ja)
            rm = jnp.max(m, axis=0)
            bj = jnp.min(jnp.where(m == rm, ja, _BIG), axis=0)
            iv = _splat_i32(i)
            _store1_f32(rowb, iv, rm)
            _store1_i32(rowp, iv, _splat_i32(bj))
            return 0

        lax.fori_loop(0, _M, init_row, 0)

        def init_misc(c, _):
            lab[pl.ds(c * _L, _L)] = c * _L + iota
            dm[pl.ds(c * _L, _L)] = jnp.zeros((_L,), jnp.int32)
            return 0

        lax.fori_loop(0, _NCH, init_misc, 0)

        def pick():
            m = rowb[pl.ds(0, _L)]
            rowv = iota
            for c in range(1, _NCH):
                v = rowb[pl.ds(c * _L, _L)]
                u = v > m
                m = jnp.where(u, v, m)
                rowv = jnp.where(u, c * _L + iota, rowv)
            gmax = jnp.max(m, axis=0)
            f = jnp.min(jnp.where(m == gmax, rowv, _BIG), axis=0)
            exhausted = gmax == _NEG
            f = jnp.where(exhausted, 0, f)
            fv = _splat_i32(f)
            tv = plsc.load_gather(rowp, [fv])
            tv = jnp.where(jnp.full((_L,), exhausted), 0, tv)
            lfv = plsc.load_gather(lab, [fv])
            ltv = plsc.load_gather(lab, [tv])
            dmfv = plsc.load_gather(dm, [fv])
            validv = jnp.where(fv != tv, lfv != ltv, dmfv == 0)
            valid = exhausted | (jnp.max(
                jnp.where(validv, 1, 0), axis=0) > 0)
            return f, gmax, tv, lfv, ltv, valid

        def iter_body(it, energy):
            def wcond(carry):
                return jnp.logical_not(carry[5])

            def wbody(carry):
                f = carry[0]
                lfv = carry[3]
                fv = _splat_i32(f)
                dmok = plsc.load_gather(dm, [fv]) == 0
                m2 = jnp.full((_L,), _NEG)
                jb = jnp.zeros((_L,), jnp.int32)
                for c2 in range(_NCH):
                    labc = lab[pl.ds(c2 * _L, _L)]
                    jv = c2 * _L + iota
                    okv = (labc != lfv) | ((jv == fv) & dmok)
                    base = f * _M + c2 * _L
                    nv = jnp.where(okv, vmax[pl.ds(base, _L)], _NEG)
                    u2 = nv > m2
                    m2 = jnp.where(u2, nv, m2)
                    jb = jnp.where(u2, jv, jb)
                nrm = jnp.max(m2, axis=0)
                nbj = jnp.min(jnp.where(m2 == nrm, jb, _BIG), axis=0)
                nbj = jnp.where(nrm == _NEG, 0, nbj)
                _store1_f32(rowb, fv, nrm)
                _store1_i32(rowp, fv, _splat_i32(nbj))
                return pick()

            f, gmax, tv, lfv, ltv, _ = lax.while_loop(wcond, wbody, pick())

            upd = gmax != _NEG
            energy = energy + jnp.where(upd, gmax, np.float32(0.0))

            fv = _splat_i32(f)
            posv = fv * _M + tv
            g0 = plsc.load_gather(raw, [posv])
            g1 = plsc.load_gather(raw, [posv + _M * _M])
            gv = jnp.full((_L,), gmax, jnp.float32)
            rv = jnp.where(g0 == gv, 0, jnp.where(g1 == gv, 1, 2))

            vals = jnp.where(iota == 0, fv, jnp.where(iota == 1, tv, rv))
            vals = jnp.where(jnp.full((_L,), upd), vals, 0)
            plsc.store_scatter(edloc, [it * _R + iota], vals, mask=iota < _R)

            selfm = jnp.max(jnp.where(lfv == ltv, 1, 0), axis=0) > 0

            def merge_body(ch, _):
                labc = lab[pl.ds(ch * _L, _L)]

                @pl.when(selfm)
                def _():
                    dmv = dm[pl.ds(ch * _L, _L)]
                    dm[pl.ds(ch * _L, _L)] = jnp.where(labc == lfv, 1, dmv)

                @pl.when(jnp.logical_not(selfm))
                def _():
                    lab[pl.ds(ch * _L, _L)] = jnp.where(
                        labc == ltv, lfv, labc)

                return 0

            lax.fori_loop(0, _NCH, merge_body, 0)
            return energy

        energy = lax.fori_loop(0, _M, iter_body, np.float32(0.0))

        enloc[...] = jnp.where(iota == 0, energy, np.float32(0.0))
        pltpu.sync_copy(enloc, en_hbm.at[b])
        pltpu.sync_copy(edloc, ed_hbm.at[b])


def kernel(log_energies):
    x = jnp.transpose(log_energies, (0, 3, 1, 2)).reshape(_B, _R * _M * _M)
    en, ed = _mst_sc(x)
    return en[:, :1], ed.reshape(_B, _M, _R)

# --- scband reference (transcript-rebuilt; emitter-appended) ---
"""Pipeline reference for scband-tree-crf-70248485093749 (READ-ONLY COPY).

The authoritative reference and input builder live on the scoring server;
editing this copy changes nothing except your own understanding.
"""

import jax, jax.numpy as jnp
import numpy as np
from jax import lax

B, M, R = 16, 128, 3


def add_garbage_dims(x):
    pad = [(0, 1), (0, 1)] + [(0, 0)] * (x.ndim - 2)
    return jnp.pad(x, pad)


def remove_garbage_dims(x):
    return x[:-1, :-1]


def _mst(log_energies):
    M_, R_ = log_energies.shape[1], log_energies.shape[2]
    partitions = jnp.eye(M_, dtype=jnp.bool_)
    mst_energy = jnp.array([0.0])

    def body(carry, _):
        log_energies, partitions, mst_energy = carry
        flat_idx = jnp.argmax(log_energies)
        max_index = jnp.unravel_index(flat_idx, log_energies.shape)
        max_energy = log_energies[max_index]
        updatable_sample = jnp.logical_not(jnp.isneginf(max_energy))
        mst_energy = mst_energy + jnp.where(updatable_sample, max_energy, 0.0)
        max_link = jnp.where(
            jnp.stack([updatable_sample] * R_, axis=-1),
            jnp.squeeze(jnp.transpose(jnp.array(max_index))),
            0,
        )
        link_from, link_to, _unused_rel_type = max_index
        from_partition = jnp.where(partitions[link_from, :], jnp.arange(M_), -1)
        to_partition = jnp.where(partitions[link_to, :], jnp.arange(M_), -1)
        le = add_garbage_dims(log_energies)
        le = le.at[from_partition, jnp.expand_dims(to_partition, axis=-1)].set(-jnp.inf)
        le = le.at[to_partition, jnp.expand_dims(from_partition, axis=-1)].set(-jnp.inf)
        log_energies = remove_garbage_dims(le)
        temp = jnp.logical_or(partitions[link_from, :], partitions[link_to, :])
        temp_idx = jnp.where(temp, jnp.arange(M_), -1)
        p = add_garbage_dims(partitions)
        p = p.at[jnp.expand_dims(temp_idx, axis=-1), jnp.arange(M_)].set(temp)
        partitions = remove_garbage_dims(p)
        return (log_energies, partitions, mst_energy), max_link

    (log_energies, partitions, mst_energy), edges = lax.scan(
        body, (log_energies, partitions, mst_energy), None, length=M_
    )
    return mst_energy, edges


def setup_inputs(seed: int = 0) -> dict:
    key = jax.random.key(seed)
    log_energies = jax.random.normal(key, (B, M, M, R), dtype=jnp.float32)
    return {"log_energies": log_energies}


def reference(log_energies):
    mst_energy, edges = jax.vmap(_mst)(log_energies)
    return mst_energy, edges

if __name__ == "__main__":
    import jax
    _d = setup_inputs()
    print(jax.jit(kernel)(*tuple(_d.values())))

</pallas_src>

<mosaic_0001>
#map = affine_map<(d0, d1) -> (0, 0)>
module attributes {stable_mosaic.version = 14 : i64} {
  func.func @_mst_sc(%arg0: i32, %arg1: i32, %arg2: memref<16x49152xf32, #tpu.memory_space<hbm>>, %arg3: memref<16x16xf32, #tpu.memory_space<hbm>>, %arg4: memref<16x384xi32, #tpu.memory_space<hbm>>, %arg5: memref<49152xf32, #tpu.memory_space<vmem>>, %arg6: memref<16384xf32, #tpu.memory_space<vmem>>, %arg7: memref<128xf32, #tpu.memory_space<vmem>>, %arg8: memref<128xi32, #tpu.memory_space<vmem>>, %arg9: memref<128xi32, #tpu.memory_space<vmem>>, %arg10: memref<128xi32, #tpu.memory_space<vmem>>, %arg11: memref<384xi32, #tpu.memory_space<vmem>>, %arg12: memref<16xf32, #tpu.memory_space<vmem>>) attributes {dimension_semantics = [#tpu.dimension_semantics<core_parallel>, #tpu.dimension_semantics<subcore_parallel>], iteration_bounds = array<i64: 2, 16>, scalar_prefetch = 0 : i64, scratch_operands = 8 : i64, tpu.core_type = #tpu.core_type<sc_vector_subcore>, window_params = [{transform_indices = #map}, {transform_indices = #map}, {transform_indices = #map}]} {
    %mul3A = arith.constant 2 : i32
    %mul3A_0 = arith.muli %arg1, %mul3A : i32
    %add3A = arith.addi %mul3A_0, %arg0 : i32
    %lt3A = arith.constant 16 : i32
    %lt3A_1 = arith.cmpi slt, %add3A, %lt3A : i32
    %convert_element_type3A = arith.extui %lt3A_1 : i1 to i32
    %cond3A = arith.constant 0 : i32
    %cond3A_2 = arith.cmpi ne, %convert_element_type3A, %cond3A : i32
    scf.if %cond3A_2 {
      %iota3A = tpu.iota {dimensions = array<i32: 0>} : vector<16xi32>
      "tpu.region"() ({
        %run_scoped3A = tpu.sem_alloc : memref<!tpu.dma_semaphore, #tpu.memory_space<semaphore_mem>>
        %dma_start3A = arith.constant 0 : i32
        %dma_start3A_27 = tpu.memref_slice %arg2[%add3A, %dma_start3A] : memref<16x49152xf32, #tpu.memory_space<hbm>> -> memref<1x49152xf32, #tpu.memory_space<hbm>>
        %dma_start3A_28 = tpu.memref_squeeze %dma_start3A_27 : memref<1x49152xf32, #tpu.memory_space<hbm>> -> memref<49152xf32, #tpu.memory_space<hbm>>
        %dma_start3A_29 = arith.constant 0 : i32
        %dma_start3A_30 = tpu.memref_slice %arg2[%add3A, %dma_start3A_29] : memref<16x49152xf32, #tpu.memory_space<hbm>> -> memref<1x49152xf32, #tpu.memory_space<hbm>>
        %dma_start3A_31 = tpu.memref_squeeze %dma_start3A_30 : memref<1x49152xf32, #tpu.memory_space<hbm>> -> memref<49152xf32, #tpu.memory_space<hbm>>
        tpu.enqueue_dma source(%dma_start3A_31 : memref<49152xf32, #tpu.memory_space<hbm>>) target(%arg5 : memref<49152xf32, #tpu.memory_space<vmem>>) target_semaphore(%run_scoped3A : memref<!tpu.dma_semaphore, #tpu.memory_space<semaphore_mem>>)
        %dma_wait3A = arith.constant 0 : i32
        %dma_wait3A_32 = tpu.memref_slice %arg2[%add3A, %dma_wait3A] : memref<16x49152xf32, #tpu.memory_space<hbm>> -> memref<1x49152xf32, #tpu.memory_space<hbm>>
        %dma_wait3A_33 = tpu.memref_squeeze %dma_wait3A_32 : memref<1x49152xf32, #tpu.memory_space<hbm>> -> memref<49152xf32, #tpu.memory_space<hbm>>
        %dma_wait3A_34 = arith.constant 0 : i32
        %dma_wait3A_35 = tpu.memref_slice %arg2[%add3A, %dma_wait3A_34] : memref<16x49152xf32, #tpu.memory_space<hbm>> -> memref<1x49152xf32, #tpu.memory_space<hbm>>
        %dma_wait3A_36 = tpu.memref_squeeze %dma_wait3A_35 : memref<1x49152xf32, #tpu.memory_space<hbm>> -> memref<49152xf32, #tpu.memory_space<hbm>>
        tpu.wait_dma2 semaphore(%run_scoped3A : memref<!tpu.dma_semaphore, #tpu.memory_space<semaphore_mem>>) src(%dma_wait3A_36 : memref<49152xf32, #tpu.memory_space<hbm>>) dst(%arg5 : memref<49152xf32, #tpu.memory_space<vmem>>)
        tpu.yield
      }) : () -> ()
      %scan3A = arith.constant 0 : i32
      %scan3A_3 = arith.constant 0 : i32
      %scan3A_4 = arith.constant 128 : i32
      %scan3A_5 = arith.addi %scan3A_3, %scan3A_4 : i32
      %scan3A_6 = arith.constant 1 : i32
      %scan3A_7 = scf.for %scan3A_27 = %scan3A_3 to %scan3A_5 step %scan3A_6 iter_args(%scan3A_28 = %scan3A) -> (i32)  : i32 {
        %broadcast_in_dim3A_29 = arith.constant 0xFF800000 : f32
        %broadcast_in_dim3A_30 = vector.broadcast %broadcast_in_dim3A_29 : f32 to vector<16xf32>
        %broadcast_in_dim3A_31 = arith.constant 0 : i32
        %broadcast_in_dim3A_32 = vector.broadcast %broadcast_in_dim3A_31 : i32 to vector<16xi32>
        %mul3A_33 = arith.constant 128 : i32
        %mul3A_34 = arith.muli %scan3A_27, %mul3A_33 : i32
        %add3A_35 = arith.constant 0 : i32
        %add3A_36 = arith.addi %mul3A_34, %add3A_35 : i32
        %get3A = arith.index_cast %add3A_36 : i32 to index
        %get3A_37 = tpu.vector_load %arg5[%get3A] {strides = array<i32>} : memref<49152xf32, #tpu.memory_space<vmem>>, vector<16xf32>,
        %add3A_38 = arith.constant 16384 : i32
        %add3A_39 = arith.addi %add3A_38, %add3A_36 : i32
        %get3A_40 = arith.index_cast %add3A_39 : i32 to index
        %get3A_41 = tpu.vector_load %arg5[%get3A_40] {strides = array<i32>} : memref<49152xf32, #tpu.memory_space<vmem>>, vector<16xf32>,
        %add3A_42 = arith.constant 32768 : i32
        %add3A_43 = arith.addi %add3A_42, %add3A_36 : i32
        %get3A_44 = arith.index_cast %add3A_43 : i32 to index
        %get3A_45 = tpu.vector_load %arg5[%get3A_44] {strides = array<i32>} : memref<49152xf32, #tpu.memory_space<vmem>>, vector<16xf32>,
        %max3A = arith.maximumf %get3A_37, %get3A_41 : vector<16xf32>
        %max3A_46 = arith.maximumf %max3A, %get3A_45 : vector<16xf32>
        %swap3A_47 = arith.index_cast %add3A_36 : i32 to index
        %swap3A_48 = tpu.vector_load %arg6[%swap3A_47] {strides = array<i32>} : memref<16384xf32, #tpu.memory_space<vmem>>, vector<16xf32>,
        tpu.vector_store %arg6[%swap3A_47], %max3A_46 {strides = array<i32>} : memref<16384xf32, #tpu.memory_space<vmem>>, vector<16xf32>,
        %gt3A = arith.cmpf ogt, %max3A_46, %broadcast_in_dim3A_30 : vector<16xf32>
        %select_n3A_49 = arith.select %gt3A, %max3A_46, %broadcast_in_dim3A_30 : vector<16xi1>, vector<16xf32>
        %add3A_50 = arith.constant 0 : i32
        %add3A_51 = vector.broadcast %add3A_50 : i32 to vector<16xi32>
        %add3A_52 = arith.addi %add3A_51, %iota3A : vector<16xi32>
        %select_n3A_53 = arith.select %gt3A, %add3A_52, %broadcast_in_dim3A_32 : vector<16xi1>, vector<16xi32>
        %mul3A_54 = arith.constant 128 : i32
        %mul3A_55 = arith.muli %scan3A_27, %mul3A_54 : i32
        %add3A_56 = arith.constant 16 : i32
        %add3A_57 = arith.addi %mul3A_55, %add3A_56 : i32
        %get3A_58 = arith.index_cast %add3A_57 : i32 to index
        %get3A_59 = tpu.vector_load %arg5[%get3A_58] {strides = array<i32>} : memref<49152xf32, #tpu.memory_space<vmem>>, vector<16xf32>,
        %add3A_60 = arith.constant 16384 : i32
        %add3A_61 = arith.addi %add3A_60, %add3A_57 : i32
        %get3A_62 = arith.index_cast %add3A_61 : i32 to index
        %get3A_63 = tpu.vector_load %arg5[%get3A_62] {strides = array<i32>} : memref<49152xf32, #tpu.memory_space<vmem>>, vector<16xf32>,
        %add3A_64 = arith.constant 32768 : i32
        %add3A_65 = arith.addi %add3A_64, %add3A_57 : i32
        %get3A_66 = arith.index_cast %add3A_65 : i32 to index
        %get3A_67 = tpu.vector_load %arg5[%get3A_66] {strides = array<i32>} : memref<49152xf32, #tpu.memory_space<vmem>>, vector<16xf32>,
        %max3A_68 = arith.maximumf %get3A_59, %get3A_63 : vector<16xf32>
        %max3A_69 = arith.maximumf %max3A_68, %get3A_67 : vector<16xf32>
        %swap3A_70 = arith.index_cast %add3A_57 : i32 to index
        %swap3A_71 = tpu.vector_load %arg6[%swap3A_70] {strides = array<i32>} : memref<16384xf32, #tpu.memory_space<vmem>>, vector<16xf32>,
        tpu.vector_store %arg6[%swap3A_70], %max3A_69 {strides = array<i32>} : memref<16384xf32, #tpu.memory_space<vmem>>, vector<16xf32>,
        %gt3A_72 = arith.cmpf ogt, %max3A_69, %select_n3A_49 : vector<16xf32>
        %select_n3A_73 = arith.select %gt3A_72, %max3A_69, %select_n3A_49 : vector<16xi1>, vector<16xf32>
        %add3A_74 = arith.constant 16 : i32
        %add3A_75 = vector.broadcast %add3A_74 : i32 to vector<16xi32>
        %add3A_76 = arith.addi %add3A_75, %iota3A : vector<16xi32>
        %select_n3A_77 = arith.select %gt3A_72, %add3A_76, %select_n3A_53 : vector<16xi1>, vector<16xi32>
        %mul3A_78 = arith.constant 128 : i32
        %mul3A_79 = arith.muli %scan3A_27, %mul3A_78 : i32
        %add3A_80 = arith.constant 32 : i32
        %add3A_81 = arith.addi %mul3A_79, %add3A_80 : i32
        %get3A_82 = arith.index_cast %add3A_81 : i32 to index
        %get3A_83 = tpu.vector_load %arg5[%get3A_82] {strides = array<i32>} : memref<49152xf32, #tpu.memory_space<vmem>>, vector<16xf32>,
        %add3A_84 = arith.constant 16384 : i32
        %add3A_85 = arith.addi %add3A_84, %add3A_81 : i32
        %get3A_86 = arith.index_cast %add3A_85 : i32 to index
        %get3A_87 = tpu.vector_load %arg5[%get3A_86] {strides = array<i32>} : memref<49152xf32, #tpu.memory_space<vmem>>, vector<16xf32>,
        %add3A_88 = arith.constant 32768 : i32
        %add3A_89 = arith.addi %add3A_88, %add3A_81 : i32
        %get3A_90 = arith.index_cast %add3A_89 : i32 to index
        %get3A_91 = tpu.vector_load %arg5[%get3A_90] {strides = array<i32>} : memref<49152xf32, #tpu.memory_space<vmem>>, vector<16xf32>,
        %max3A_92 = arith.maximumf %get3A_83, %get3A_87 : vector<16xf32>
        %max3A_93 = arith.maximumf %max3A_92, %get3A_91 : vector<16xf32>
        %swap3A_94 = arith.index_cast %add3A_81 : i32 to index
        %swap3A_95 = tpu.vector_load %arg6[%swap3A_94] {strides = array<i32>} : memref<16384xf32, #tpu.memory_space<vmem>>, vector<16xf32>,
        tpu.vector_store %arg6[%swap3A_94], %max3A_93 {strides = array<i32>} : memref<16384xf32, #tpu.memory_space<vmem>>, vector<16xf32>,
        %gt3A_96 = arith.cmpf ogt, %max3A_93, %select_n3A_73 : vector<16xf32>
        %select_n3A_97 = arith.select %gt3A_96, %max3A_93, %select_n3A_73 : vector<16xi1>, vector<16xf32>
        %add3A_98 = arith.constant 32 : i32
        %add3A_99 = vector.broadcast %add3A_98 : i32 to vector<16xi32>
        %add3A_100 = arith.addi %add3A_99, %iota3A : vector<16xi32>
        %select_n3A_101 = arith.select %gt3A_96, %add3A_100, %select_n3A_77 : vector<16xi1>, vector<16xi32>
        %mul3A_102 = arith.constant 128 : i32
        %mul3A_103 = arith.muli %scan3A_27, %mul3A_102 : i32
        %add3A_104 = arith.constant 48 : i32
        %add3A_105 = arith.addi %mul3A_103, %add3A_104 : i32
        %get3A_106 = arith.index_cast %add3A_105 : i32 to index
        %get3A_107 = tpu.vector_load %arg5[%get3A_106] {strides = array<i32>} : memref<49152xf32, #tpu.memory_space<vmem>>, vector<16xf32>,
        %add3A_108 = arith.constant 16384 : i32
        %add3A_109 = arith.addi %add3A_108, %add3A_105 : i32
        %get3A_110 = arith.index_cast %add3A_109 : i32 to index
        %get3A_111 = tpu.vector_load %arg5[%get3A_110] {strides = array<i32>} : memref<49152xf32, #tpu.memory_space<vmem>>, vector<16xf32>,
        %add3A_112 = arith.constant 32768 : i32
        %add3A_113 = arith.addi %add3A_112, %add3A_105 : i32
        %get3A_114 = arith.index_cast %add3A_113 : i32 to index
        %get3A_115 = tpu.vector_load %arg5[%get3A_114] {strides = array<i32>} : memref<49152xf32, #tpu.memory_space<vmem>>, vector<16xf32>,
        %max3A_116 = arith.maximumf %get3A_107, %get3A_111 : vector<16xf32>
        %max3A_117 = arith.maximumf %max3A_116, %get3A_115 : vector<16xf32>
        %swap3A_118 = arith.index_cast %add3A_105 : i32 to index
        %swap3A_119 = tpu.vector_load %arg6[%swap3A_118] {strides = array<i32>} : memref<16384xf32, #tpu.memory_space<vmem>>, vector<16xf32>,
        tpu.vector_store %arg6[%swap3A_118], %max3A_117 {strides = array<i32>} : memref<16384xf32, #tpu.memory_space<vmem>>, vector<16xf32>,
        %gt3A_120 = arith.cmpf ogt, %max3A_117, %select_n3A_97 : vector<16xf32>
        %select_n3A_121 = arith.select %gt3A_120, %max3A_117, %select_n3A_97 : vector<16xi1>, vector<16xf32>
        %add3A_122 = arith.constant 48 : i32
        %add3A_123 = vector.broadcast %add3A_122 : i32 to vector<16xi32>
        %add3A_124 = arith.addi %add3A_123, %iota3A : vector<16xi32>
        %select_n3A_125 = arith.select %gt3A_120, %add3A_124, %select_n3A_101 : vector<16xi1>, vector<16xi32>
        %mul3A_126 = arith.constant 128 : i32
        %mul3A_127 = arith.muli %scan3A_27, %mul3A_126 : i32
        %add3A_128 = arith.constant 64 : i32
        %add3A_129 = arith.addi %mul3A_127, %add3A_128 : i32
        %get3A_130 = arith.index_cast %add3A_129 : i32 to index
        %get3A_131 = tpu.vector_load %arg5[%get3A_130] {strides = array<i32>} : memref<49152xf32, #tpu.memory_space<vmem>>, vector<16xf32>,
        %add3A_132 = arith.constant 16384 : i32
        %add3A_133 = arith.addi %add3A_132, %add3A_129 : i32
        %get3A_134 = arith.index_cast %add3A_133 : i32 to index
        %get3A_135 = tpu.vector_load %arg5[%get3A_134] {strides = array<i32>} : memref<49152xf32, #tpu.memory_space<vmem>>, vector<16xf32>,
        %add3A_136 = arith.constant 32768 : i32
        %add3A_137 = arith.addi %add3A_136, %add3A_129 : i32
        %get3A_138 = arith.index_cast %add3A_137 : i32 to index
        %get3A_139 = tpu.vector_load %arg5[%get3A_138] {strides = array<i32>} : memref<49152xf32, #tpu.memory_space<vmem>>, vector<16xf32>,
        %max3A_140 = arith.maximumf %get3A_131, %get3A_135 : vector<16xf32>
        %max3A_141 = arith.maximumf %max3A_140, %get3A_139 : vector<16xf32>
        %swap3A_142 = arith.index_cast %add3A_129 : i32 to index
        %swap3A_143 = tpu.vector_load %arg6[%swap3A_142] {strides = array<i32>} : memref<16384xf32, #tpu.memory_space<vmem>>, vector<16xf32>,
        tpu.vector_store %arg6[%swap3A_142], %max3A_141 {strides = array<i32>} : memref<16384xf32, #tpu.memory_space<vmem>>, vector<16xf32>,
        %gt3A_144 = arith.cmpf ogt, %max3A_141, %select_n3A_121 : vector<16xf32>
        %select_n3A_145 = arith.select %gt3A_144, %max3A_141, %select_n3A_121 : vector<16xi1>, vector<16xf32>
        %add3A_146 = arith.constant 64 : i32
        %add3A_147 = vector.broadcast %add3A_146 : i32 to vector<16xi32>
        %add3A_148 = arith.addi %add3A_147, %iota3A : vector<16xi32>
        %select_n3A_149 = arith.select %gt3A_144, %add3A_148, %select_n3A_125 : vector<16xi1>, vector<16xi32>
        %mul3A_150 = arith.constant 128 : i32
        %mul3A_151 = arith.muli %scan3A_27, %mul3A_150 : i32
        %add3A_152 = arith.constant 80 : i32
        %add3A_153 = arith.addi %mul3A_151, %add3A_152 : i32
        %get3A_154 = arith.index_cast %add3A_153 : i32 to index
        %get3A_155 = tpu.vector_load %arg5[%get3A_154] {strides = array<i32>} : memref<49152xf32, #tpu.memory_space<vmem>>, vector<16xf32>,
        %add3A_156 = arith.constant 16384 : i32
        %add3A_157 = arith.addi %add3A_156, %add3A_153 : i32
        %get3A_158 = arith.index_cast %add3A_157 : i32 to index
        %get3A_159 = tpu.vector_load %arg5[%get3A_158] {strides = array<i32>} : memref<49152xf32, #tpu.memory_space<vmem>>, vector<16xf32>,
        %add3A_160 = arith.constant 32768 : i32
        %add3A_161 = arith.addi %add3A_160, %add3A_153 : i32
        %get3A_162 = arith.index_cast %add3A_161 : i32 to index
        %get3A_163 = tpu.vector_load %arg5[%get3A_162] {strides = array<i32>} : memref<49152xf32, #tpu.memory_space<vmem>>, vector<16xf32>,
        %max3A_164 = arith.maximumf %get3A_155, %get3A_159 : vector<16xf32>
        %max3A_165 = arith.maximumf %max3A_164, %get3A_163 : vector<16xf32>
        %swap3A_166 = arith.index_cast %add3A_153 : i32 to index
        %swap3A_167 = tpu.vector_load %arg6[%swap3A_166] {strides = array<i32>} : memref<16384xf32, #tpu.memory_space<vmem>>, vector<16xf32>,
        tpu.vector_store %arg6[%swap3A_166], %max3A_165 {strides = array<i32>} : memref<16384xf32, #tpu.memory_space<vmem>>, vector<16xf32>,
        %gt3A_168 = arith.cmpf ogt, %max3A_165, %select_n3A_145 : vector<16xf32>
        %select_n3A_169 = arith.select %gt3A_168, %max3A_165, %select_n3A_145 : vector<16xi1>, vector<16xf32>
        %add3A_170 = arith.constant 80 : i32
        %add3A_171 = vector.broadcast %add3A_170 : i32 to vector<16xi32>
        %add3A_172 = arith.addi %add3A_171, %iota3A : vector<16xi32>
        %select_n3A_173 = arith.select %gt3A_168, %add3A_172, %select_n3A_149 : vector<16xi1>, vector<16xi32>
        %mul3A_174 = arith.constant 128 : i32
        %mul3A_175 = arith.muli %scan3A_27, %mul3A_174 : i32
        %add3A_176 = arith.constant 96 : i32
        %add3A_177 = arith.addi %mul3A_175, %add3A_176 : i32
        %get3A_178 = arith.index_cast %add3A_177 : i32 to index
        %get3A_179 = tpu.vector_load %arg5[%get3A_178] {strides = array<i32>} : memref<49152xf32, #tpu.memory_space<vmem>>, vector<16xf32>,
        %add3A_180 = arith.constant 16384 : i32
        %add3A_181 = arith.addi %add3A_180, %add3A_177 : i32
        %get3A_182 = arith.index_cast %add3A_181 : i32 to index
        %get3A_183 = tpu.vector_load %arg5[%get3A_182] {strides = array<i32>} : memref<49152xf32, #tpu.memory_space<vmem>>, vector<16xf32>,
        %add3A_184 = arith.constant 32768 : i32
        %add3A_185 = arith.addi %add3A_184, %add3A_177 : i32
        %get3A_186 = arith.index_cast %add3A_185 : i32 to index
        %get3A_187 = tpu.vector_load %arg5[%get3A_186] {strides = array<i32>} : memref<49152xf32, #tpu.memory_space<vmem>>, vector<16xf32>,
        %max3A_188 = arith.maximumf %get3A_179, %get3A_183 : vector<16xf32>
        %max3A_189 = arith.maximumf %max3A_188, %get3A_187 : vector<16xf32>
        %swap3A_190 = arith.index_cast %add3A_177 : i32 to index
        %swap3A_191 = tpu.vector_load %arg6[%swap3A_190] {strides = array<i32>} : memref<16384xf32, #tpu.memory_space<vmem>>, vector<16xf32>,
        tpu.vector_store %arg6[%swap3A_190], %max3A_189 {strides = array<i32>} : memref<16384xf32, #tpu.memory_space<vmem>>, vector<16xf32>,
        %gt3A_192 = arith.cmpf ogt, %max3A_189, %select_n3A_169 : vector<16xf32>
        %select_n3A_193 = arith.select %gt3A_192, %max3A_189, %select_n3A_169 : vector<16xi1>, vector<16xf32>
        %add3A_194 = arith.constant 96 : i32
        %add3A_195 = vector.broadcast %add3A_194 : i32 to vector<16xi32>
        %add3A_196 = arith.addi %add3A_195, %iota3A : vector<16xi32>
        %select_n3A_197 = arith.select %gt3A_192, %add3A_196, %select_n3A_173 : vector<16xi1>, vector<16xi32>
        %mul3A_198 = arith.constant 128 : i32
        %mul3A_199 = arith.muli %scan3A_27, %mul3A_198 : i32
        %add3A_200 = arith.constant 112 : i32
        %add3A_201 = arith.addi %mul3A_199, %add3A_200 : i32
        %get3A_202 = arith.index_cast %add3A_201 : i32 to index
        %get3A_203 = tpu.vector_load %arg5[%get3A_202] {strides = array<i32>} : memref<49152xf32, #tpu.memory_space<vmem>>, vector<16xf32>,
        %add3A_204 = arith.constant 16384 : i32
        %add3A_205 = arith.addi %add3A_204, %add3A_201 : i32
        %get3A_206 = arith.index_cast %add3A_205 : i32 to index
        %get3A_207 = tpu.vector_load %arg5[%get3A_206] {strides = array<i32>} : memref<49152xf32, #tpu.memory_space<vmem>>, vector<16xf32>,
        %add3A_208 = arith.constant 32768 : i32
        %add3A_209 = arith.addi %add3A_208, %add3A_201 : i32
        %get3A_210 = arith.index_cast %add3A_209 : i32 to index
        %get3A_211 = tpu.vector_load %arg5[%get3A_210] {strides = array<i32>} : memref<49152xf32, #tpu.memory_space<vmem>>, vector<16xf32>,
        %max3A_212 = arith.maximumf %get3A_203, %get3A_207 : vector<16xf32>
        %max3A_213 = arith.maximumf %max3A_212, %get3A_211 : vector<16xf32>
        %swap3A_214 = arith.index_cast %add3A_201 : i32 to index
        %swap3A_215 = tpu.vector_load %arg6[%swap3A_214] {strides = array<i32>} : memref<16384xf32, #tpu.memory_space<vmem>>, vector<16xf32>,
        tpu.vector_store %arg6[%swap3A_214], %max3A_213 {strides = array<i32>} : memref<16384xf32, #tpu.memory_space<vmem>>, vector<16xf32>,
        %gt3A_216 = arith.cmpf ogt, %max3A_213, %select_n3A_193 : vector<16xf32>
        %select_n3A_217 = arith.select %gt3A_216, %max3A_213, %select_n3A_193 : vector<16xi1>, vector<16xf32>
        %add3A_218 = arith.constant 112 : i32
        %add3A_219 = vector.broadcast %add3A_218 : i32 to vector<16xi32>
        %add3A_220 = arith.addi %add3A_219, %iota3A : vector<16xi32>
        %select_n3A_221 = arith.select %gt3A_216, %add3A_220, %select_n3A_197 : vector<16xi1>, vector<16xi32>
        %reduce_max3A = arith.constant true
        %reduce_max3A_222 = vector.broadcast %reduce_max3A : i1 to vector<16xi1>
        %reduce_max3A_223 = tpu.scan <max>, %select_n3A_217 masked %reduce_max3A_222 : vector<16xf32>, vector<16xi1> -> vector<16xf32>
        %reduce_max3A_224 = vector.extract %reduce_max3A_223[15] : f32 from vector<16xf32>
        %eq3A_225 = vector.broadcast %reduce_max3A_224 : f32 to vector<16xf32>
        %eq3A_226 = arith.cmpf oeq, %select_n3A_217, %eq3A_225 : vector<16xf32>
        %jit3A_227 = arith.constant 1073741824 : i32
        %broadcast_in_dim3A_228 = vector.broadcast %jit3A_227 : i32 to vector<16xi32>
        %select_n3A_229 = arith.select %eq3A_226, %select_n3A_221, %broadcast_in_dim3A_228 : vector<16xi1>, vector<16xi32>
        %reduce_min3A = arith.constant true
        %reduce_min3A_230 = vector.broadcast %reduce_min3A : i1 to vector<16xi1>
        %reduce_min3A_231 = arith.constant -2147483648 : i32
        %reduce_min3A_232 = vector.broadcast %reduce_min3A_231 : i32 to vector<16xi32>
        %reduce_min3A_233 = arith.xori %select_n3A_229, %reduce_min3A_232 : vector<16xi32>
        %reduce_min3A_234 = tpu.scan <min>, %reduce_min3A_233 masked %reduce_min3A_230 : vector<16xi32>, vector<16xi1> -> vector<16xi32>
        %reduce_min3A_235 = arith.xori %reduce_min3A_234, %reduce_min3A_232 : vector<16xi32>
        %reduce_min3A_236 = vector.extract %reduce_min3A_235[15] : i32 from vector<16xi32>
        %broadcast_in_dim3A_237 = vector.broadcast %scan3A_27 : i32 to vector<16xi32>
        %broadcast_in_dim3A_238 = vector.broadcast %reduce_max3A_224 : f32 to vector<16xf32>
        %iota3A_239 = tpu.iota {dimensions = array<i32: 0>} : vector<16xi32>
        %eq3A_240 = arith.constant 0 : i32
        %eq3A_241 = vector.broadcast %eq3A_240 : i32 to vector<16xi32>
        %eq3A_242 = arith.cmpi eq, %iota3A_239, %eq3A_241 : vector<16xi32>
        tpu.vector_store_idx %arg7[%broadcast_in_dim3A_237], %broadcast_in_dim3A_238 masked %eq3A_242 : memref<128xf32, #tpu.memory_space<vmem>>[vector<16xi32>], vector<16xf32>, vector<16xi1>
        %broadcast_in_dim3A_243 = vector.broadcast %reduce_min3A_236 : i32 to vector<16xi32>
        %iota3A_244 = tpu.iota {dimensions = array<i32: 0>} : vector<16xi32>
        %eq3A_245 = arith.constant 0 : i32
        %eq3A_246 = vector.broadcast %eq3A_245 : i32 to vector<16xi32>
        %eq3A_247 = arith.cmpi eq, %iota3A_244, %eq3A_246 : vector<16xi32>
        tpu.vector_store_idx %arg8[%broadcast_in_dim3A_237], %broadcast_in_dim3A_243 masked %eq3A_247 : memref<128xi32, #tpu.memory_space<vmem>>[vector<16xi32>], vector<16xi32>, vector<16xi1>
        %scan3A_248 = arith.constant 0 : i32
        scf.yield %scan3A_248 : i32
      }
      %scan3A_8 = arith.constant 128 : i32
      %scan3A_9 = arith.constant 0 : i32
      %scan3A_10 = arith.constant 0 : i32
      %scan3A_11 = arith.constant 8 : i32
      %scan3A_12 = arith.addi %scan3A_10, %scan3A_11 : i32
      %scan3A_13 = arith.constant 1 : i32
      %scan3A_14 = scf.for %scan3A_27 = %scan3A_10 to %scan3A_12 step %scan3A_13 iter_args(%scan3A_28 = %scan3A_9) -> (i32)  : i32 {
        %mul3A_29 = arith.constant 16 : i32
        %mul3A_30 = arith.muli %scan3A_27, %mul3A_29 : i32
        %add3A_31 = vector.broadcast %mul3A_30 : i32 to vector<16xi32>
        %add3A_32 = arith.addi %add3A_31, %iota3A : vector<16xi32>
        %mul3A_33 = arith.constant 16 : i32
        %mul3A_34 = arith.muli %scan3A_27, %mul3A_33 : i32
        %swap3A_35 = arith.index_cast %mul3A_34 : i32 to index
        %swap3A_36 = tpu.vector_load %arg9[%swap3A_35] {strides = array<i32>} : memref<128xi32, #tpu.memory_space<vmem>>, vector<16xi32>,
        tpu.vector_store %arg9[%swap3A_35], %add3A_32 {strides = array<i32>} : memref<128xi32, #tpu.memory_space<vmem>>, vector<16xi32>,
        %broadcast_in_dim3A_37 = arith.constant 0 : i32
        %broadcast_in_dim3A_38 = vector.broadcast %broadcast_in_dim3A_37 : i32 to vector<16xi32>
        %mul3A_39 = arith.constant 16 : i32
        %mul3A_40 = arith.muli %scan3A_27, %mul3A_39 : i32
        %swap3A_41 = arith.index_cast %mul3A_40 : i32 to index
        %swap3A_42 = tpu.vector_load %arg10[%swap3A_41] {strides = array<i32>} : memref<128xi32, #tpu.memory_space<vmem>>, vector<16xi32>,
        tpu.vector_store %arg10[%swap3A_41], %broadcast_in_dim3A_38 {strides = array<i32>} : memref<128xi32, #tpu.memory_space<vmem>>, vector<16xi32>,
        %scan3A_43 = arith.constant 0 : i32
        scf.yield %scan3A_43 : i32
      }
      %scan3A_15 = arith.constant 8 : i32
      %scan3A_16 = arith.constant 0.000000e+00 : f32
      %scan3A_17 = arith.constant 0 : i32
      %scan3A_18 = arith.constant 128 : i32
      %scan3A_19 = arith.addi %scan3A_17, %scan3A_18 : i32
      %scan3A_20 = arith.constant 1 : i32
      %scan3A_21 = scf.for %scan3A_27 = %scan3A_17 to %scan3A_19 step %scan3A_20 iter_args(%scan3A_28 = %scan3A_16) -> (f32)  : i32 {
        %get3A = arith.constant 0 : index
        %get3A_29 = tpu.vector_load %arg7[%get3A] {strides = array<i32>} : memref<128xf32, #tpu.memory_space<vmem>>, vector<16xf32>,
        %get3A_30 = arith.constant 16 : index
        %get3A_31 = tpu.vector_load %arg7[%get3A_30] {strides = array<i32>} : memref<128xf32, #tpu.memory_space<vmem>>, vector<16xf32>,
        %gt3A = arith.cmpf ogt, %get3A_31, %get3A_29 : vector<16xf32>
        %select_n3A_32 = arith.select %gt3A, %get3A_31, %get3A_29 : vector<16xi1>, vector<16xf32>
        %add3A_33 = arith.constant 16 : i32
        %add3A_34 = vector.broadcast %add3A_33 : i32 to vector<16xi32>
        %add3A_35 = arith.addi %add3A_34, %iota3A : vector<16xi32>
        %select_n3A_36 = arith.select %gt3A, %add3A_35, %iota3A : vector<16xi1>, vector<16xi32>
        %get3A_37 = arith.constant 32 : index
        %get3A_38 = tpu.vector_load %arg7[%get3A_37] {strides = array<i32>} : memref<128xf32, #tpu.memory_space<vmem>>, vector<16xf32>,
        %gt3A_39 = arith.cmpf ogt, %get3A_38, %select_n3A_32 : vector<16xf32>
        %select_n3A_40 = arith.select %gt3A_39, %get3A_38, %select_n3A_32 : vector<16xi1>, vector<16xf32>
        %add3A_41 = arith.constant 32 : i32
        %add3A_42 = vector.broadcast %add3A_41 : i32 to vector<16xi32>
        %add3A_43 = arith.addi %add3A_42, %iota3A : vector<16xi32>
        %select_n3A_44 = arith.select %gt3A_39, %add3A_43, %select_n3A_36 : vector<16xi1>, vector<16xi32>
        %get3A_45 = arith.constant 48 : index
        %get3A_46 = tpu.vector_load %arg7[%get3A_45] {strides = array<i32>} : memref<128xf32, #tpu.memory_space<vmem>>, vector<16xf32>,
        %gt3A_47 = arith.cmpf ogt, %get3A_46, %select_n3A_40 : vector<16xf32>
        %select_n3A_48 = arith.select %gt3A_47, %get3A_46, %select_n3A_40 : vector<16xi1>, vector<16xf32>
        %add3A_49 = arith.constant 48 : i32
        %add3A_50 = vector.broadcast %add3A_49 : i32 to vector<16xi32>
        %add3A_51 = arith.addi %add3A_50, %iota3A : vector<16xi32>
        %select_n3A_52 = arith.select %gt3A_47, %add3A_51, %select_n3A_44 : vector<16xi1>, vector<16xi32>
        %get3A_53 = arith.constant 64 : index
        %get3A_54 = tpu.vector_load %arg7[%get3A_53] {strides = array<i32>} : memref<128xf32, #tpu.memory_space<vmem>>, vector<16xf32>,
        %gt3A_55 = arith.cmpf ogt, %get3A_54, %select_n3A_48 : vector<16xf32>
        %select_n3A_56 = arith.select %gt3A_55, %get3A_54, %select_n3A_48 : vector<16xi1>, vector<16xf32>
        %add3A_57 = arith.constant 64 : i32
        %add3A_58 = vector.broadcast %add3A_57 : i32 to vector<16xi32>
        %add3A_59 = arith.addi %add3A_58, %iota3A : vector<16xi32>
        %select_n3A_60 = arith.select %gt3A_55, %add3A_59, %select_n3A_52 : vector<16xi1>, vector<16xi32>
        %get3A_61 = arith.constant 80 : index
        %get3A_62 = tpu.vector_load %arg7[%get3A_61] {strides = array<i32>} : memref<128xf32, #tpu.memory_space<vmem>>, vector<16xf32>,
        %gt3A_63 = arith.cmpf ogt, %get3A_62, %select_n3A_56 : vector<16xf32>
        %select_n3A_64 = arith.select %gt3A_63, %get3A_62, %select_n3A_56 : vector<16xi1>, vector<16xf32>
        %add3A_65 = arith.constant 80 : i32
        %add3A_66 = vector.broadcast %add3A_65 : i32 to vector<16xi32>
        %add3A_67 = arith.addi %add3A_66, %iota3A : vector<16xi32>
        %select_n3A_68 = arith.select %gt3A_63, %add3A_67, %select_n3A_60 : vector<16xi1>, vector<16xi32>
        %get3A_69 = arith.constant 96 : index
        %get3A_70 = tpu.vector_load %arg7[%get3A_69] {strides = array<i32>} : memref<128xf32, #tpu.memory_space<vmem>>, vector<16xf32>,
        %gt3A_71 = arith.cmpf ogt, %get3A_70, %select_n3A_64 : vector<16xf32>
        %select_n3A_72 = arith.select %gt3A_71, %get3A_70, %select_n3A_64 : vector<16xi1>, vector<16xf32>
        %add3A_73 = arith.constant 96 : i32
        %add3A_74 = vector.broadcast %add3A_73 : i32 to vector<16xi32>
        %add3A_75 = arith.addi %add3A_74, %iota3A : vector<16xi32>
        %select_n3A_76 = arith.select %gt3A_71, %add3A_75, %select_n3A_68 : vector<16xi1>, vector<16xi32>
        %get3A_77 = arith.constant 112 : index
        %get3A_78 = tpu.vector_load %arg7[%get3A_77] {strides = array<i32>} : memref<128xf32, #tpu.memory_space<vmem>>, vector<16xf32>,
        %gt3A_79 = arith.cmpf ogt, %get3A_78, %select_n3A_72 : vector<16xf32>
        %select_n3A_80 = arith.select %gt3A_79, %get3A_78, %select_n3A_72 : vector<16xi1>, vector<16xf32>
        %add3A_81 = arith.constant 112 : i32
        %add3A_82 = vector.broadcast %add3A_81 : i32 to vector<16xi32>
        %add3A_83 = arith.addi %add3A_82, %iota3A : vector<16xi32>
        %select_n3A_84 = arith.select %gt3A_79, %add3A_83, %select_n3A_76 : vector<16xi1>, vector<16xi32>
        %reduce_max3A = arith.constant true
        %reduce_max3A_85 = vector.broadcast %reduce_max3A : i1 to vector<16xi1>
        %reduce_max3A_86 = tpu.scan <max>, %select_n3A_80 masked %reduce_max3A_85 : vector<16xf32>, vector<16xi1> -> vector<16xf32>
        %reduce_max3A_87 = vector.extract %reduce_max3A_86[15] : f32 from vector<16xf32>
        %eq3A_88 = vector.broadcast %reduce_max3A_87 : f32 to vector<16xf32>
        %eq3A_89 = arith.cmpf oeq, %select_n3A_80, %eq3A_88 : vector<16xf32>
        %jit3A_90 = arith.constant 1073741824 : i32
        %broadcast_in_dim3A_91 = vector.broadcast %jit3A_90 : i32 to vector<16xi32>
        %select_n3A_92 = arith.select %eq3A_89, %select_n3A_84, %broadcast_in_dim3A_91 : vector<16xi1>, vector<16xi32>
        %reduce_min3A = arith.constant true
        %reduce_min3A_93 = vector.broadcast %reduce_min3A : i1 to vector<16xi1>
        %reduce_min3A_94 = arith.constant -2147483648 : i32
        %reduce_min3A_95 = vector.broadcast %reduce_min3A_94 : i32 to vector<16xi32>
        %reduce_min3A_96 = arith.xori %select_n3A_92, %reduce_min3A_95 : vector<16xi32>
        %reduce_min3A_97 = tpu.scan <min>, %reduce_min3A_96 masked %reduce_min3A_93 : vector<16xi32>, vector<16xi1> -> vector<16xi32>
        %reduce_min3A_98 = arith.xori %reduce_min3A_97, %reduce_min3A_95 : vector<16xi32>
        %reduce_min3A_99 = vector.extract %reduce_min3A_98[15] : i32 from vector<16xi32>
        %eq3A_100 = arith.constant 0xFF800000 : f32
        %eq3A_101 = arith.cmpf oeq, %reduce_max3A_87, %eq3A_100 : f32
        %jit3A_102 = arith.constant 0 : i32
        %select_n3A_103 = arith.select %eq3A_101, %jit3A_102, %reduce_min3A_99 : i32
        %broadcast_in_dim3A_104 = vector.broadcast %select_n3A_103 : i32 to vector<16xi32>
        %gather3A = tpu.vector_load_idx %arg8[%broadcast_in_dim3A_104] : memref<128xi32, #tpu.memory_space<vmem>>[vector<16xi32>], vector<16xi32>,
        %broadcast_in_dim3A_105 = vector.broadcast %eq3A_101 : i1 to vector<16xi1>
        %jit3A_106 = arith.constant 0 : i32
        %broadcast_in_dim3A_107 = vector.broadcast %jit3A_106 : i32 to vector<16xi32>
        %select_n3A_108 = arith.select %broadcast_in_dim3A_105, %broadcast_in_dim3A_107, %gather3A : vector<16xi1>, vector<16xi32>
        %gather3A_109 = tpu.vector_load_idx %arg9[%broadcast_in_dim3A_104] : memref<128xi32, #tpu.memory_space<vmem>>[vector<16xi32>], vector<16xi32>,
        %gather3A_110 = tpu.vector_load_idx %arg9[%select_n3A_108] : memref<128xi32, #tpu.memory_space<vmem>>[vector<16xi32>], vector<16xi32>,
        %gather3A_111 = tpu.vector_load_idx %arg10[%broadcast_in_dim3A_104] : memref<128xi32, #tpu.memory_space<vmem>>[vector<16xi32>], vector<16xi32>,
        %ne3A = arith.cmpi ne, %broadcast_in_dim3A_104, %select_n3A_108 : vector<16xi32>
        %ne3A_112 = arith.cmpi ne, %gather3A_109, %gather3A_110 : vector<16xi32>
        %eq3A_113 = arith.constant 0 : i32
        %eq3A_114 = vector.broadcast %eq3A_113 : i32 to vector<16xi32>
        %eq3A_115 = arith.cmpi eq, %gather3A_111, %eq3A_114 : vector<16xi32>
        %select_n3A_116 = arith.select %ne3A, %ne3A_112, %eq3A_115 : vector<16xi1>, vector<16xi1>
        %jit3A_117 = arith.constant 1 : i32
        %jit3A_118 = arith.constant 0 : i32
        %broadcast_in_dim3A_119 = vector.broadcast %jit3A_117 : i32 to vector<16xi32>
        %broadcast_in_dim3A_120 = vector.broadcast %jit3A_118 : i32 to vector<16xi32>
        %select_n3A_121 = arith.select %select_n3A_116, %broadcast_in_dim3A_119, %broadcast_in_dim3A_120 : vector<16xi1>, vector<16xi32>
        %reduce_max3A_122 = arith.constant true
        %reduce_max3A_123 = vector.broadcast %reduce_max3A_122 : i1 to vector<16xi1>
        %reduce_max3A_124 = arith.constant -2147483648 : i32
        %reduce_max3A_125 = vector.broadcast %reduce_max3A_124 : i32 to vector<16xi32>
        %reduce_max3A_126 = arith.xori %select_n3A_121, %reduce_max3A_125 : vector<16xi32>
        %reduce_max3A_127 = tpu.scan <max>, %reduce_max3A_126 masked %reduce_max3A_123 : vector<16xi32>, vector<16xi1> -> vector<16xi32>
        %reduce_max3A_128 = arith.xori %reduce_max3A_127, %reduce_max3A_125 : vector<16xi32>
        %reduce_max3A_129 = vector.extract %reduce_max3A_128[15] : i32 from vector<16xi32>
        %gt3A_130 = arith.constant 0 : i32
        %gt3A_131 = arith.cmpi sgt, %reduce_max3A_129, %gt3A_130 : i32
        %or3A = arith.ori %eq3A_101, %gt3A_131 : i1
        %while3A:6 = scf.while (%while3A_200 = %select_n3A_103, %while3A_201 = %reduce_max3A_87, %while3A_202 = %select_n3A_108, %while3A_203 = %gather3A_109, %while3A_204 = %gather3A_110, %while3A_205 = %or3A) : (i32, f32, vector<16xi32>, vector<16xi32>, vector<16xi32>, i1) -> (i32, f32, vector<16xi32>, vector<16xi32>, vector<16xi32>, i1) {
          %not3A = arith.constant true
          %not3A_206 = arith.xori %while3A_205, %not3A : i1
          scf.condition(%not3A_206) %while3A_200, %while3A_201, %while3A_202, %while3A_203, %while3A_204, %while3A_205 : i32, f32, vector<16xi32>, vector<16xi32>, vector<16xi32>, i1
        } do {
        ^bb0(%while3A_200: i32, %while3A_201: f32, %while3A_202: vector<16xi32>, %while3A_203: vector<16xi32>, %while3A_204: vector<16xi32>, %while3A_205: i1):
          %broadcast_in_dim3A_206 = vector.broadcast %while3A_200 : i32 to vector<16xi32>
          %gather3A_207 = tpu.vector_load_idx %arg10[%broadcast_in_dim3A_206] : memref<128xi32, #tpu.memory_space<vmem>>[vector<16xi32>], vector<16xi32>,
          %eq3A_208 = arith.constant 0 : i32
          %eq3A_209 = vector.broadcast %eq3A_208 : i32 to vector<16xi32>
          %eq3A_210 = arith.cmpi eq, %gather3A_207, %eq3A_209 : vector<16xi32>
          %broadcast_in_dim3A_211 = arith.constant 0xFF800000 : f32
          %broadcast_in_dim3A_212 = vector.broadcast %broadcast_in_dim3A_211 : f32 to vector<16xf32>
          %broadcast_in_dim3A_213 = arith.constant 0 : i32
          %broadcast_in_dim3A_214 = vector.broadcast %broadcast_in_dim3A_213 : i32 to vector<16xi32>
          %get3A_215 = arith.constant 0 : index
          %get3A_216 = tpu.vector_load %arg9[%get3A_215] {strides = array<i32>} : memref<128xi32, #tpu.memory_space<vmem>>, vector<16xi32>,
          %add3A_217 = arith.constant 0 : i32
          %add3A_218 = vector.broadcast %add3A_217 : i32 to vector<16xi32>
          %add3A_219 = arith.addi %add3A_218, %iota3A : vector<16xi32>
          %ne3A_220 = arith.cmpi ne, %get3A_216, %while3A_203 : vector<16xi32>
          %eq3A_221 = arith.cmpi eq, %add3A_219, %broadcast_in_dim3A_206 : vector<16xi32>
          %and3A = arith.andi %eq3A_221, %eq3A_210 : vector<16xi1>
          %or3A_222 = arith.ori %ne3A_220, %and3A : vector<16xi1>
          %mul3A_223 = arith.constant 128 : i32
          %mul3A_224 = arith.muli %while3A_200, %mul3A_223 : i32
          %add3A_225 = arith.constant 0 : i32
          %add3A_226 = arith.addi %mul3A_224, %add3A_225 : i32
          %get3A_227 = arith.index_cast %add3A_226 : i32 to index
          %get3A_228 = tpu.vector_load %arg6[%get3A_227] {strides = array<i32>} : memref<16384xf32, #tpu.memory_space<vmem>>, vector<16xf32>,
          %jit3A_229 = arith.constant 0xFF800000 : f32
          %broadcast_in_dim3A_230 = vector.broadcast %jit3A_229 : f32 to vector<16xf32>
          %select_n3A_231 = arith.select %or3A_222, %get3A_228, %broadcast_in_dim3A_230 : vector<16xi1>, vector<16xf32>
          %gt3A_232 = arith.cmpf ogt, %select_n3A_231, %broadcast_in_dim3A_212 : vector<16xf32>
          %select_n3A_233 = arith.select %gt3A_232, %select_n3A_231, %broadcast_in_dim3A_212 : vector<16xi1>, vector<16xf32>
          %select_n3A_234 = arith.select %gt3A_232, %add3A_219, %broadcast_in_dim3A_214 : vector<16xi1>, vector<16xi32>
          %get3A_235 = arith.constant 16 : index
          %get3A_236 = tpu.vector_load %arg9[%get3A_235] {strides = array<i32>} : memref<128xi32, #tpu.memory_space<vmem>>, vector<16xi32>,
          %add3A_237 = arith.constant 16 : i32
          %add3A_238 = vector.broadcast %add3A_237 : i32 to vector<16xi32>
          %add3A_239 = arith.addi %add3A_238, %iota3A : vector<16xi32>
          %ne3A_240 = arith.cmpi ne, %get3A_236, %while3A_203 : vector<16xi32>
          %eq3A_241 = arith.cmpi eq, %add3A_239, %broadcast_in_dim3A_206 : vector<16xi32>
          %and3A_242 = arith.andi %eq3A_241, %eq3A_210 : vector<16xi1>
          %or3A_243 = arith.ori %ne3A_240, %and3A_242 : vector<16xi1>
          %mul3A_244 = arith.constant 128 : i32
          %mul3A_245 = arith.muli %while3A_200, %mul3A_244 : i32
          %add3A_246 = arith.constant 16 : i32
          %add3A_247 = arith.addi %mul3A_245, %add3A_246 : i32
          %get3A_248 = arith.index_cast %add3A_247 : i32 to index
          %get3A_249 = tpu.vector_load %arg6[%get3A_248] {strides = array<i32>} : memref<16384xf32, #tpu.memory_space<vmem>>, vector<16xf32>,
          %jit3A_250 = arith.constant 0xFF800000 : f32
          %broadcast_in_dim3A_251 = vector.broadcast %jit3A_250 : f32 to vector<16xf32>
          %select_n3A_252 = arith.select %or3A_243, %get3A_249, %broadcast_in_dim3A_251 : vector<16xi1>, vector<16xf32>
          %gt3A_253 = arith.cmpf ogt, %select_n3A_252, %select_n3A_233 : vector<16xf32>
          %select_n3A_254 = arith.select %gt3A_253, %select_n3A_252, %select_n3A_233 : vector<16xi1>, vector<16xf32>
          %select_n3A_255 = arith.select %gt3A_253, %add3A_239, %select_n3A_234 : vector<16xi1>, vector<16xi32>
          %get3A_256 = arith.constant 32 : index
          %get3A_257 = tpu.vector_load %arg9[%get3A_256] {strides = array<i32>} : memref<128xi32, #tpu.memory_space<vmem>>, vector<16xi32>,
          %add3A_258 = arith.constant 32 : i32
          %add3A_259 = vector.broadcast %add3A_258 : i32 to vector<16xi32>
          %add3A_260 = arith.addi %add3A_259, %iota3A : vector<16xi32>
          %ne3A_261 = arith.cmpi ne, %get3A_257, %while3A_203 : vector<16xi32>
          %eq3A_262 = arith.cmpi eq, %add3A_260, %broadcast_in_dim3A_206 : vector<16xi32>
          %and3A_263 = arith.andi %eq3A_262, %eq3A_210 : vector<16xi1>
          %or3A_264 = arith.ori %ne3A_261, %and3A_263 : vector<16xi1>
          %mul3A_265 = arith.constant 128 : i32
          %mul3A_266 = arith.muli %while3A_200, %mul3A_265 : i32
          %add3A_267 = arith.constant 32 : i32
          %add3A_268 = arith.addi %mul3A_266, %add3A_267 : i32
          %get3A_269 = arith.index_cast %add3A_268 : i32 to index
          %get3A_270 = tpu.vector_load %arg6[%get3A_269] {strides = array<i32>} : memref<16384xf32, #tpu.memory_space<vmem>>, vector<16xf32>,
          %jit3A_271 = arith.constant 0xFF800000 : f32
          %broadcast_in_dim3A_272 = vector.broadcast %jit3A_271 : f32 to vector<16xf32>
          %select_n3A_273 = arith.select %or3A_264, %get3A_270, %broadcast_in_dim3A_272 : vector<16xi1>, vector<16xf32>
          %gt3A_274 = arith.cmpf ogt, %select_n3A_273, %select_n3A_254 : vector<16xf32>
          %select_n3A_275 = arith.select %gt3A_274, %select_n3A_273, %select_n3A_254 : vector<16xi1>, vector<16xf32>
          %select_n3A_276 = arith.select %gt3A_274, %add3A_260, %select_n3A_255 : vector<16xi1>, vector<16xi32>
          %get3A_277 = arith.constant 48 : index
          %get3A_278 = tpu.vector_load %arg9[%get3A_277] {strides = array<i32>} : memref<128xi32, #tpu.memory_space<vmem>>, vector<16xi32>,
          %add3A_279 = arith.constant 48 : i32
          %add3A_280 = vector.broadcast %add3A_279 : i32 to vector<16xi32>
          %add3A_281 = arith.addi %add3A_280, %iota3A : vector<16xi32>
          %ne3A_282 = arith.cmpi ne, %get3A_278, %while3A_203 : vector<16xi32>
          %eq3A_283 = arith.cmpi eq, %add3A_281, %broadcast_in_dim3A_206 : vector<16xi32>
          %and3A_284 = arith.andi %eq3A_283, %eq3A_210 : vector<16xi1>
          %or3A_285 = arith.ori %ne3A_282, %and3A_284 : vector<16xi1>
          %mul3A_286 = arith.constant 128 : i32
          %mul3A_287 = arith.muli %while3A_200, %mul3A_286 : i32
          %add3A_288 = arith.constant 48 : i32
          %add3A_289 = arith.addi %mul3A_287, %add3A_288 : i32
          %get3A_290 = arith.index_cast %add3A_289 : i32 to index
          %get3A_291 = tpu.vector_load %arg6[%get3A_290] {strides = array<i32>} : memref<16384xf32, #tpu.memory_space<vmem>>, vector<16xf32>,
          %jit3A_292 = arith.constant 0xFF800000 : f32
          %broadcast_in_dim3A_293 = vector.broadcast %jit3A_292 : f32 to vector<16xf32>
          %select_n3A_294 = arith.select %or3A_285, %get3A_291, %broadcast_in_dim3A_293 : vector<16xi1>, vector<16xf32>
          %gt3A_295 = arith.cmpf ogt, %select_n3A_294, %select_n3A_275 : vector<16xf32>
          %select_n3A_296 = arith.select %gt3A_295, %select_n3A_294, %select_n3A_275 : vector<16xi1>, vector<16xf32>
          %select_n3A_297 = arith.select %gt3A_295, %add3A_281, %select_n3A_276 : vector<16xi1>, vector<16xi32>
          %get3A_298 = arith.constant 64 : index
          %get3A_299 = tpu.vector_load %arg9[%get3A_298] {strides = array<i32>} : memref<128xi32, #tpu.memory_space<vmem>>, vector<16xi32>,
          %add3A_300 = arith.constant 64 : i32
          %add3A_301 = vector.broadcast %add3A_300 : i32 to vector<16xi32>
          %add3A_302 = arith.addi %add3A_301, %iota3A : vector<16xi32>
          %ne3A_303 = arith.cmpi ne, %get3A_299, %while3A_203 : vector<16xi32>
          %eq3A_304 = arith.cmpi eq, %add3A_302, %broadcast_in_dim3A_206 : vector<16xi32>
          %and3A_305 = arith.andi %eq3A_304, %eq3A_210 : vector<16xi1>
          %or3A_306 = arith.ori %ne3A_303, %and3A_305 : vector<16xi1>
          %mul3A_307 = arith.constant 128 : i32
          %mul3A_308 = arith.muli %while3A_200, %mul3A_307 : i32
          %add3A_309 = arith.constant 64 : i32
          %add3A_310 = arith.addi %mul3A_308, %add3A_309 : i32
          %get3A_311 = arith.index_cast %add3A_310 : i32 to index
          %get3A_312 = tpu.vector_load %arg6[%get3A_311] {strides = array<i32>} : memref<16384xf32, #tpu.memory_space<vmem>>, vector<16xf32>,
          %jit3A_313 = arith.constant 0xFF800000 : f32
          %broadcast_in_dim3A_314 = vector.broadcast %jit3A_313 : f32 to vector<16xf32>
          %select_n3A_315 = arith.select %or3A_306, %get3A_312, %broadcast_in_dim3A_314 : vector<16xi1>, vector<16xf32>
          %gt3A_316 = arith.cmpf ogt, %select_n3A_315, %select_n3A_296 : vector<16xf32>
          %select_n3A_317 = arith.select %gt3A_316, %select_n3A_315, %select_n3A_296 : vector<16xi1>, vector<16xf32>
          %select_n3A_318 = arith.select %gt3A_316, %add3A_302, %select_n3A_297 : vector<16xi1>, vector<16xi32>
          %get3A_319 = arith.constant 80 : index
          %get3A_320 = tpu.vector_load %arg9[%get3A_319] {strides = array<i32>} : memref<128xi32, #tpu.memory_space<vmem>>, vector<16xi32>,
          %add3A_321 = arith.constant 80 : i32
          %add3A_322 = vector.broadcast %add3A_321 : i32 to vector<16xi32>
          %add3A_323 = arith.addi %add3A_322, %iota3A : vector<16xi32>
          %ne3A_324 = arith.cmpi ne, %get3A_320, %while3A_203 : vector<16xi32>
          %eq3A_325 = arith.cmpi eq, %add3A_323, %broadcast_in_dim3A_206 : vector<16xi32>
          %and3A_326 = arith.andi %eq3A_325, %eq3A_210 : vector<16xi1>
          %or3A_327 = arith.ori %ne3A_324, %and3A_326 : vector<16xi1>
          %mul3A_328 = arith.constant 128 : i32
          %mul3A_329 = arith.muli %while3A_200, %mul3A_328 : i32
          %add3A_330 = arith.constant 80 : i32
          %add3A_331 = arith.addi %mul3A_329, %add3A_330 : i32
          %get3A_332 = arith.index_cast %add3A_331 : i32 to index
          %get3A_333 = tpu.vector_load %arg6[%get3A_332] {strides = array<i32>} : memref<16384xf32, #tpu.memory_space<vmem>>, vector<16xf32>,
          %jit3A_334 = arith.constant 0xFF800000 : f32
          %broadcast_in_dim3A_335 = vector.broadcast %jit3A_334 : f32 to vector<16xf32>
          %select_n3A_336 = arith.select %or3A_327, %get3A_333, %broadcast_in_dim3A_335 : vector<16xi1>, vector<16xf32>
          %gt3A_337 = arith.cmpf ogt, %select_n3A_336, %select_n3A_317 : vector<16xf32>
          %select_n3A_338 = arith.select %gt3A_337, %select_n3A_336, %select_n3A_317 : vector<16xi1>, vector<16xf32>
          %select_n3A_339 = arith.select %gt3A_337, %add3A_323, %select_n3A_318 : vector<16xi1>, vector<16xi32>
          %get3A_340 = arith.constant 96 : index
          %get3A_341 = tpu.vector_load %arg9[%get3A_340] {strides = array<i32>} : memref<128xi32, #tpu.memory_space<vmem>>, vector<16xi32>,
          %add3A_342 = arith.constant 96 : i32
          %add3A_343 = vector.broadcast %add3A_342 : i32 to vector<16xi32>
          %add3A_344 = arith.addi %add3A_343, %iota3A : vector<16xi32>
          %ne3A_345 = arith.cmpi ne, %get3A_341, %while3A_203 : vector<16xi32>
          %eq3A_346 = arith.cmpi eq, %add3A_344, %broadcast_in_dim3A_206 : vector<16xi32>
          %and3A_347 = arith.andi %eq3A_346, %eq3A_210 : vector<16xi1>
          %or3A_348 = arith.ori %ne3A_345, %and3A_347 : vector<16xi1>
          %mul3A_349 = arith.constant 128 : i32
          %mul3A_350 = arith.muli %while3A_200, %mul3A_349 : i32
          %add3A_351 = arith.constant 96 : i32
          %add3A_352 = arith.addi %mul3A_350, %add3A_351 : i32
          %get3A_353 = arith.index_cast %add3A_352 : i32 to index
          %get3A_354 = tpu.vector_load %arg6[%get3A_353] {strides = array<i32>} : memref<16384xf32, #tpu.memory_space<vmem>>, vector<16xf32>,
          %jit3A_355 = arith.constant 0xFF800000 : f32
          %broadcast_in_dim3A_356 = vector.broadcast %jit3A_355 : f32 to vector<16xf32>
          %select_n3A_357 = arith.select %or3A_348, %get3A_354, %broadcast_in_dim3A_356 : vector<16xi1>, vector<16xf32>
          %gt3A_358 = arith.cmpf ogt, %select_n3A_357, %select_n3A_338 : vector<16xf32>
          %select_n3A_359 = arith.select %gt3A_358, %select_n3A_357, %select_n3A_338 : vector<16xi1>, vector<16xf32>
          %select_n3A_360 = arith.select %gt3A_358, %add3A_344, %select_n3A_339 : vector<16xi1>, vector<16xi32>
          %get3A_361 = arith.constant 112 : index
          %get3A_362 = tpu.vector_load %arg9[%get3A_361] {strides = array<i32>} : memref<128xi32, #tpu.memory_space<vmem>>, vector<16xi32>,
          %add3A_363 = arith.constant 112 : i32
          %add3A_364 = vector.broadcast %add3A_363 : i32 to vector<16xi32>
          %add3A_365 = arith.addi %add3A_364, %iota3A : vector<16xi32>
          %ne3A_366 = arith.cmpi ne, %get3A_362, %while3A_203 : vector<16xi32>
          %eq3A_367 = arith.cmpi eq, %add3A_365, %broadcast_in_dim3A_206 : vector<16xi32>
          %and3A_368 = arith.andi %eq3A_367, %eq3A_210 : vector<16xi1>
          %or3A_369 = arith.ori %ne3A_366, %and3A_368 : vector<16xi1>
          %mul3A_370 = arith.constant 128 : i32
          %mul3A_371 = arith.muli %while3A_200, %mul3A_370 : i32
          %add3A_372 = arith.constant 112 : i32
          %add3A_373 = arith.addi %mul3A_371, %add3A_372 : i32
          %get3A_374 = arith.index_cast %add3A_373 : i32 to index
          %get3A_375 = tpu.vector_load %arg6[%get3A_374] {strides = array<i32>} : memref<16384xf32, #tpu.memory_space<vmem>>, vector<16xf32>,
          %jit3A_376 = arith.constant 0xFF800000 : f32
          %broadcast_in_dim3A_377 = vector.broadcast %jit3A_376 : f32 to vector<16xf32>
          %select_n3A_378 = arith.select %or3A_369, %get3A_375, %broadcast_in_dim3A_377 : vector<16xi1>, vector<16xf32>
          %gt3A_379 = arith.cmpf ogt, %select_n3A_378, %select_n3A_359 : vector<16xf32>
          %select_n3A_380 = arith.select %gt3A_379, %select_n3A_378, %select_n3A_359 : vector<16xi1>, vector<16xf32>
          %select_n3A_381 = arith.select %gt3A_379, %add3A_365, %select_n3A_360 : vector<16xi1>, vector<16xi32>
          %reduce_max3A_382 = arith.constant true
          %reduce_max3A_383 = vector.broadcast %reduce_max3A_382 : i1 to vector<16xi1>
          %reduce_max3A_384 = tpu.scan <max>, %select_n3A_380 masked %reduce_max3A_383 : vector<16xf32>, vector<16xi1> -> vector<16xf32>
          %reduce_max3A_385 = vector.extract %reduce_max3A_384[15] : f32 from vector<16xf32>
          %eq3A_386 = vector.broadcast %reduce_max3A_385 : f32 to vector<16xf32>
          %eq3A_387 = arith.cmpf oeq, %select_n3A_380, %eq3A_386 : vector<16xf32>
          %jit3A_388 = arith.constant 1073741824 : i32
          %broadcast_in_dim3A_389 = vector.broadcast %jit3A_388 : i32 to vector<16xi32>
          %select_n3A_390 = arith.select %eq3A_387, %select_n3A_381, %broadcast_in_dim3A_389 : vector<16xi1>, vector<16xi32>
          %reduce_min3A_391 = arith.constant true
          %reduce_min3A_392 = vector.broadcast %reduce_min3A_391 : i1 to vector<16xi1>
          %reduce_min3A_393 = arith.constant -2147483648 : i32
          %reduce_min3A_394 = vector.broadcast %reduce_min3A_393 : i32 to vector<16xi32>
          %reduce_min3A_395 = arith.xori %select_n3A_390, %reduce_min3A_394 : vector<16xi32>
          %reduce_min3A_396 = tpu.scan <min>, %reduce_min3A_395 masked %reduce_min3A_392 : vector<16xi32>, vector<16xi1> -> vector<16xi32>
          %reduce_min3A_397 = arith.xori %reduce_min3A_396, %reduce_min3A_394 : vector<16xi32>
          %reduce_min3A_398 = vector.extract %reduce_min3A_397[15] : i32 from vector<16xi32>
          %eq3A_399 = arith.constant 0xFF800000 : f32
          %eq3A_400 = arith.cmpf oeq, %reduce_max3A_385, %eq3A_399 : f32
          %jit3A_401 = arith.constant 0 : i32
          %select_n3A_402 = arith.select %eq3A_400, %jit3A_401, %reduce_min3A_398 : i32
          %broadcast_in_dim3A_403 = vector.broadcast %reduce_max3A_385 : f32 to vector<16xf32>
          %iota3A_404 = tpu.iota {dimensions = array<i32: 0>} : vector<16xi32>
          %eq3A_405 = arith.constant 0 : i32
          %eq3A_406 = vector.broadcast %eq3A_405 : i32 to vector<16xi32>
          %eq3A_407 = arith.cmpi eq, %iota3A_404, %eq3A_406 : vector<16xi32>
          tpu.vector_store_idx %arg7[%broadcast_in_dim3A_206], %broadcast_in_dim3A_403 masked %eq3A_407 : memref<128xf32, #tpu.memory_space<vmem>>[vector<16xi32>], vector<16xf32>, vector<16xi1>
          %broadcast_in_dim3A_408 = vector.broadcast %select_n3A_402 : i32 to vector<16xi32>
          %iota3A_409 = tpu.iota {dimensions = array<i32: 0>} : vector<16xi32>
          %eq3A_410 = arith.constant 0 : i32
          %eq3A_411 = vector.broadcast %eq3A_410 : i32 to vector<16xi32>
          %eq3A_412 = arith.cmpi eq, %iota3A_409, %eq3A_411 : vector<16xi32>
          tpu.vector_store_idx %arg8[%broadcast_in_dim3A_206], %broadcast_in_dim3A_408 masked %eq3A_412 : memref<128xi32, #tpu.memory_space<vmem>>[vector<16xi32>], vector<16xi32>, vector<16xi1>
          %get3A_413 = arith.constant 0 : index
          %get3A_414 = tpu.vector_load %arg7[%get3A_413] {strides = array<i32>} : memref<128xf32, #tpu.memory_space<vmem>>, vector<16xf32>,
          %get3A_415 = arith.constant 16 : index
          %get3A_416 = tpu.vector_load %arg7[%get3A_415] {strides = array<i32>} : memref<128xf32, #tpu.memory_space<vmem>>, vector<16xf32>,
          %gt3A_417 = arith.cmpf ogt, %get3A_416, %get3A_414 : vector<16xf32>
          %select_n3A_418 = arith.select %gt3A_417, %get3A_416, %get3A_414 : vector<16xi1>, vector<16xf32>
          %add3A_419 = arith.constant 16 : i32
          %add3A_420 = vector.broadcast %add3A_419 : i32 to vector<16xi32>
          %add3A_421 = arith.addi %add3A_420, %iota3A : vector<16xi32>
          %select_n3A_422 = arith.select %gt3A_417, %add3A_421, %iota3A : vector<16xi1>, vector<16xi32>
          %get3A_423 = arith.constant 32 : index
          %get3A_424 = tpu.vector_load %arg7[%get3A_423] {strides = array<i32>} : memref<128xf32, #tpu.memory_space<vmem>>, vector<16xf32>,
          %gt3A_425 = arith.cmpf ogt, %get3A_424, %select_n3A_418 : vector<16xf32>
          %select_n3A_426 = arith.select %gt3A_425, %get3A_424, %select_n3A_418 : vector<16xi1>, vector<16xf32>
          %add3A_427 = arith.constant 32 : i32
          %add3A_428 = vector.broadcast %add3A_427 : i32 to vector<16xi32>
          %add3A_429 = arith.addi %add3A_428, %iota3A : vector<16xi32>
          %select_n3A_430 = arith.select %gt3A_425, %add3A_429, %select_n3A_422 : vector<16xi1>, vector<16xi32>
          %get3A_431 = arith.constant 48 : index
          %get3A_432 = tpu.vector_load %arg7[%get3A_431] {strides = array<i32>} : memref<128xf32, #tpu.memory_space<vmem>>, vector<16xf32>,
          %gt3A_433 = arith.cmpf ogt, %get3A_432, %select_n3A_426 : vector<16xf32>
          %select_n3A_434 = arith.select %gt3A_433, %get3A_432, %select_n3A_426 : vector<16xi1>, vector<16xf32>
          %add3A_435 = arith.constant 48 : i32
          %add3A_436 = vector.broadcast %add3A_435 : i32 to vector<16xi32>
          %add3A_437 = arith.addi %add3A_436, %iota3A : vector<16xi32>
          %select_n3A_438 = arith.select %gt3A_433, %add3A_437, %select_n3A_430 : vector<16xi1>, vector<16xi32>
          %get3A_439 = arith.constant 64 : index
          %get3A_440 = tpu.vector_load %arg7[%get3A_439] {strides = array<i32>} : memref<128xf32, #tpu.memory_space<vmem>>, vector<16xf32>,
          %gt3A_441 = arith.cmpf ogt, %get3A_440, %select_n3A_434 : vector<16xf32>
          %select_n3A_442 = arith.select %gt3A_441, %get3A_440, %select_n3A_434 : vector<16xi1>, vector<16xf32>
          %add3A_443 = arith.constant 64 : i32
          %add3A_444 = vector.broadcast %add3A_443 : i32 to vector<16xi32>
          %add3A_445 = arith.addi %add3A_444, %iota3A : vector<16xi32>
          %select_n3A_446 = arith.select %gt3A_441, %add3A_445, %select_n3A_438 : vector<16xi1>, vector<16xi32>
          %get3A_447 = arith.constant 80 : index
          %get3A_448 = tpu.vector_load %arg7[%get3A_447] {strides = array<i32>} : memref<128xf32, #tpu.memory_space<vmem>>, vector<16xf32>,
          %gt3A_449 = arith.cmpf ogt, %get3A_448, %select_n3A_442 : vector<16xf32>
          %select_n3A_450 = arith.select %gt3A_449, %get3A_448, %select_n3A_442 : vector<16xi1>, vector<16xf32>
          %add3A_451 = arith.constant 80 : i32
          %add3A_452 = vector.broadcast %add3A_451 : i32 to vector<16xi32>
          %add3A_453 = arith.addi %add3A_452, %iota3A : vector<16xi32>
          %select_n3A_454 = arith.select %gt3A_449, %add3A_453, %select_n3A_446 : vector<16xi1>, vector<16xi32>
          %get3A_455 = arith.constant 96 : index
          %get3A_456 = tpu.vector_load %arg7[%get3A_455] {strides = array<i32>} : memref<128xf32, #tpu.memory_space<vmem>>, vector<16xf32>,
          %gt3A_457 = arith.cmpf ogt, %get3A_456, %select_n3A_450 : vector<16xf32>
          %select_n3A_458 = arith.select %gt3A_457, %get3A_456, %select_n3A_450 : vector<16xi1>, vector<16xf32>
          %add3A_459 = arith.constant 96 : i32
          %add3A_460 = vector.broadcast %add3A_459 : i32 to vector<16xi32>
          %add3A_461 = arith.addi %add3A_460, %iota3A : vector<16xi32>
          %select_n3A_462 = arith.select %gt3A_457, %add3A_461, %select_n3A_454 : vector<16xi1>, vector<16xi32>
          %get3A_463 = arith.constant 112 : index
          %get3A_464 = tpu.vector_load %arg7[%get3A_463] {strides = array<i32>} : memref<128xf32, #tpu.memory_space<vmem>>, vector<16xf32>,
          %gt3A_465 = arith.cmpf ogt, %get3A_464, %select_n3A_458 : vector<16xf32>
          %select_n3A_466 = arith.select %gt3A_465, %get3A_464, %select_n3A_458 : vector<16xi1>, vector<16xf32>
          %add3A_467 = arith.constant 112 : i32
          %add3A_468 = vector.broadcast %add3A_467 : i32 to vector<16xi32>
          %add3A_469 = arith.addi %add3A_468, %iota3A : vector<16xi32>
          %select_n3A_470 = arith.select %gt3A_465, %add3A_469, %select_n3A_462 : vector<16xi1>, vector<16xi32>
          %reduce_max3A_471 = arith.constant true
          %reduce_max3A_472 = vector.broadcast %reduce_max3A_471 : i1 to vector<16xi1>
          %reduce_max3A_473 = tpu.scan <max>, %select_n3A_466 masked %reduce_max3A_472 : vector<16xf32>, vector<16xi1> -> vector<16xf32>
          %reduce_max3A_474 = vector.extract %reduce_max3A_473[15] : f32 from vector<16xf32>
          %eq3A_475 = vector.broadcast %reduce_max3A_474 : f32 to vector<16xf32>
          %eq3A_476 = arith.cmpf oeq, %select_n3A_466, %eq3A_475 : vector<16xf32>
          %jit3A_477 = arith.constant 1073741824 : i32
          %broadcast_in_dim3A_478 = vector.broadcast %jit3A_477 : i32 to vector<16xi32>
          %select_n3A_479 = arith.select %eq3A_476, %select_n3A_470, %broadcast_in_dim3A_478 : vector<16xi1>, vector<16xi32>
          %reduce_min3A_480 = arith.constant true
          %reduce_min3A_481 = vector.broadcast %reduce_min3A_480 : i1 to vector<16xi1>
          %reduce_min3A_482 = arith.constant -2147483648 : i32
          %reduce_min3A_483 = vector.broadcast %reduce_min3A_482 : i32 to vector<16xi32>
          %reduce_min3A_484 = arith.xori %select_n3A_479, %reduce_min3A_483 : vector<16xi32>
          %reduce_min3A_485 = tpu.scan <min>, %reduce_min3A_484 masked %reduce_min3A_481 : vector<16xi32>, vector<16xi1> -> vector<16xi32>
          %reduce_min3A_486 = arith.xori %reduce_min3A_485, %reduce_min3A_483 : vector<16xi32>
          %reduce_min3A_487 = vector.extract %reduce_min3A_486[15] : i32 from vector<16xi32>
          %eq3A_488 = arith.constant 0xFF800000 : f32
          %eq3A_489 = arith.cmpf oeq, %reduce_max3A_474, %eq3A_488 : f32
          %jit3A_490 = arith.constant 0 : i32
          %select_n3A_491 = arith.select %eq3A_489, %jit3A_490, %reduce_min3A_487 : i32
          %broadcast_in_dim3A_492 = vector.broadcast %select_n3A_491 : i32 to vector<16xi32>
          %gather3A_493 = tpu.vector_load_idx %arg8[%broadcast_in_dim3A_492] : memref<128xi32, #tpu.memory_space<vmem>>[vector<16xi32>], vector<16xi32>,
          %broadcast_in_dim3A_494 = vector.broadcast %eq3A_489 : i1 to vector<16xi1>
          %jit3A_495 = arith.constant 0 : i32
          %broadcast_in_dim3A_496 = vector.broadcast %jit3A_495 : i32 to vector<16xi32>
          %select_n3A_497 = arith.select %broadcast_in_dim3A_494, %broadcast_in_dim3A_496, %gather3A_493 : vector<16xi1>, vector<16xi32>
          %gather3A_498 = tpu.vector_load_idx %arg9[%broadcast_in_dim3A_492] : memref<128xi32, #tpu.memory_space<vmem>>[vector<16xi32>], vector<16xi32>,
          %gather3A_499 = tpu.vector_load_idx %arg9[%select_n3A_497] : memref<128xi32, #tpu.memory_space<vmem>>[vector<16xi32>], vector<16xi32>,
          %gather3A_500 = tpu.vector_load_idx %arg10[%broadcast_in_dim3A_492] : memref<128xi32, #tpu.memory_space<vmem>>[vector<16xi32>], vector<16xi32>,
          %ne3A_501 = arith.cmpi ne, %broadcast_in_dim3A_492, %select_n3A_497 : vector<16xi32>
          %ne3A_502 = arith.cmpi ne, %gather3A_498, %gather3A_499 : vector<16xi32>
          %eq3A_503 = arith.constant 0 : i32
          %eq3A_504 = vector.broadcast %eq3A_503 : i32 to vector<16xi32>
          %eq3A_505 = arith.cmpi eq, %gather3A_500, %eq3A_504 : vector<16xi32>
          %select_n3A_506 = arith.select %ne3A_501, %ne3A_502, %eq3A_505 : vector<16xi1>, vector<16xi1>
          %jit3A_507 = arith.constant 1 : i32
          %jit3A_508 = arith.constant 0 : i32
          %broadcast_in_dim3A_509 = vector.broadcast %jit3A_507 : i32 to vector<16xi32>
          %broadcast_in_dim3A_510 = vector.broadcast %jit3A_508 : i32 to vector<16xi32>
          %select_n3A_511 = arith.select %select_n3A_506, %broadcast_in_dim3A_509, %broadcast_in_dim3A_510 : vector<16xi1>, vector<16xi32>
          %reduce_max3A_512 = arith.constant true
          %reduce_max3A_513 = vector.broadcast %reduce_max3A_512 : i1 to vector<16xi1>
          %reduce_max3A_514 = arith.constant -2147483648 : i32
          %reduce_max3A_515 = vector.broadcast %reduce_max3A_514 : i32 to vector<16xi32>
          %reduce_max3A_516 = arith.xori %select_n3A_511, %reduce_max3A_515 : vector<16xi32>
          %reduce_max3A_517 = tpu.scan <max>, %reduce_max3A_516 masked %reduce_max3A_513 : vector<16xi32>, vector<16xi1> -> vector<16xi32>
          %reduce_max3A_518 = arith.xori %reduce_max3A_517, %reduce_max3A_515 : vector<16xi32>
          %reduce_max3A_519 = vector.extract %reduce_max3A_518[15] : i32 from vector<16xi32>
          %gt3A_520 = arith.constant 0 : i32
          %gt3A_521 = arith.cmpi sgt, %reduce_max3A_519, %gt3A_520 : i32
          %or3A_522 = arith.ori %eq3A_489, %gt3A_521 : i1
          scf.yield %select_n3A_491, %reduce_max3A_474, %select_n3A_497, %gather3A_498, %gather3A_499, %or3A_522 : i32, f32, vector<16xi32>, vector<16xi32>, vector<16xi32>, i1
        }
        %ne3A_132 = arith.constant 0xFF800000 : f32
        %ne3A_133 = arith.cmpf one, %while3A#1, %ne3A_132 : f32
        %jit3A_134 = arith.constant 0.000000e+00 : f32
        %select_n3A_135 = arith.select %ne3A_133, %while3A#1, %jit3A_134 : f32
        %add3A_136 = arith.addf %scan3A_28, %select_n3A_135 : f32
        %broadcast_in_dim3A_137 = vector.broadcast %while3A#0 : i32 to vector<16xi32>
        %mul3A_138 = arith.constant 128 : i32
        %mul3A_139 = vector.broadcast %mul3A_138 : i32 to vector<16xi32>
        %mul3A_140 = arith.muli %broadcast_in_dim3A_137, %mul3A_139 : vector<16xi32>
        %add3A_141 = arith.addi %mul3A_140, %while3A#2 : vector<16xi32>
        %gather3A_142 = tpu.vector_load_idx %arg5[%add3A_141] : memref<49152xf32, #tpu.memory_space<vmem>>[vector<16xi32>], vector<16xf32>,
        %add3A_143 = arith.constant 16384 : i32
        %add3A_144 = vector.broadcast %add3A_143 : i32 to vector<16xi32>
        %add3A_145 = arith.addi %add3A_141, %add3A_144 : vector<16xi32>
        %gather3A_146 = tpu.vector_load_idx %arg5[%add3A_145] : memref<49152xf32, #tpu.memory_space<vmem>>[vector<16xi32>], vector<16xf32>,
        %broadcast_in_dim3A_147 = vector.broadcast %while3A#1 : f32 to vector<16xf32>
        %eq3A_148 = arith.cmpf oeq, %gather3A_142, %broadcast_in_dim3A_147 : vector<16xf32>
        %eq3A_149 = arith.cmpf oeq, %gather3A_146, %broadcast_in_dim3A_147 : vector<16xf32>
        %jit3A_150 = arith.constant 1 : i32
        %jit3A_151 = arith.constant 2 : i32
        %broadcast_in_dim3A_152 = vector.broadcast %jit3A_150 : i32 to vector<16xi32>
        %broadcast_in_dim3A_153 = vector.broadcast %jit3A_151 : i32 to vector<16xi32>
        %select_n3A_154 = arith.select %eq3A_149, %broadcast_in_dim3A_152, %broadcast_in_dim3A_153 : vector<16xi1>, vector<16xi32>
        %jit3A_155 = arith.constant 0 : i32
        %broadcast_in_dim3A_156 = vector.broadcast %jit3A_155 : i32 to vector<16xi32>
        %select_n3A_157 = arith.select %eq3A_148, %broadcast_in_dim3A_156, %select_n3A_154 : vector<16xi1>, vector<16xi32>
        %eq3A_158 = arith.constant 0 : i32
        %eq3A_159 = vector.broadcast %eq3A_158 : i32 to vector<16xi32>
        %eq3A_160 = arith.cmpi eq, %iota3A, %eq3A_159 : vector<16xi32>
        %eq3A_161 = arith.constant 1 : i32
        %eq3A_162 = vector.broadcast %eq3A_161 : i32 to vector<16xi32>
        %eq3A_163 = arith.cmpi eq, %iota3A, %eq3A_162 : vector<16xi32>
        %select_n3A_164 = arith.select %eq3A_163, %while3A#2, %select_n3A_157 : vector<16xi1>, vector<16xi32>
        %select_n3A_165 = arith.select %eq3A_160, %broadcast_in_dim3A_137, %select_n3A_164 : vector<16xi1>, vector<16xi32>
        %broadcast_in_dim3A_166 = vector.broadcast %ne3A_133 : i1 to vector<16xi1>
        %jit3A_167 = arith.constant 0 : i32
        %broadcast_in_dim3A_168 = vector.broadcast %jit3A_167 : i32 to vector<16xi32>
        %select_n3A_169 = arith.select %broadcast_in_dim3A_166, %select_n3A_165, %broadcast_in_dim3A_168 : vector<16xi1>, vector<16xi32>
        %mul3A_170 = arith.constant 3 : i32
        %mul3A_171 = arith.muli %scan3A_27, %mul3A_170 : i32
        %add3A_172 = vector.broadcast %mul3A_171 : i32 to vector<16xi32>
        %add3A_173 = arith.addi %add3A_172, %iota3A : vector<16xi32>
        %lt3A_174 = arith.constant 3 : i32
        %lt3A_175 = vector.broadcast %lt3A_174 : i32 to vector<16xi32>
        %lt3A_176 = arith.cmpi slt, %iota3A, %lt3A_175 : vector<16xi32>
        tpu.vector_store_idx %arg11[%add3A_173], %select_n3A_169 masked %lt3A_176 : memref<384xi32, #tpu.memory_space<vmem>>[vector<16xi32>], vector<16xi32>, vector<16xi1>
        %eq3A_177 = arith.cmpi eq, %while3A#3, %while3A#4 : vector<16xi32>
        %jit3A_178 = arith.constant 1 : i32
        %jit3A_179 = arith.constant 0 : i32
        %broadcast_in_dim3A_180 = vector.broadcast %jit3A_178 : i32 to vector<16xi32>
        %broadcast_in_dim3A_181 = vector.broadcast %jit3A_179 : i32 to vector<16xi32>
        %select_n3A_182 = arith.select %eq3A_177, %broadcast_in_dim3A_180, %broadcast_in_dim3A_181 : vector<16xi1>, vector<16xi32>
        %reduce_max3A_183 = arith.constant true
        %reduce_max3A_184 = vector.broadcast %reduce_max3A_183 : i1 to vector<16xi1>
        %reduce_max3A_185 = arith.constant -2147483648 : i32
        %reduce_max3A_186 = vector.broadcast %reduce_max3A_185 : i32 to vector<16xi32>
        %reduce_max3A_187 = arith.xori %select_n3A_182, %reduce_max3A_186 : vector<16xi32>
        %reduce_max3A_188 = tpu.scan <max>, %reduce_max3A_187 masked %reduce_max3A_184 : vector<16xi32>, vector<16xi1> -> vector<16xi32>
        %reduce_max3A_189 = arith.xori %reduce_max3A_188, %reduce_max3A_186 : vector<16xi32>
        %reduce_max3A_190 = vector.extract %reduce_max3A_189[15] : i32 from vector<16xi32>
        %gt3A_191 = arith.constant 0 : i32
        %gt3A_192 = arith.cmpi sgt, %reduce_max3A_190, %gt3A_191 : i32
        %scan3A_193 = arith.constant 0 : i32
        %scan3A_194 = arith.constant 0 : i32
        %scan3A_195 = arith.constant 8 : i32
        %scan3A_196 = arith.addi %scan3A_194, %scan3A_195 : i32
        %scan3A_197 = arith.constant 1 : i32
        %scan3A_198 = scf.for %scan3A_200 = %scan3A_194 to %scan3A_196 step %scan3A_197 iter_args(%scan3A_201 = %scan3A_193) -> (i32)  : i32 {
          %mul3A_202 = arith.constant 16 : i32
          %mul3A_203 = arith.muli %scan3A_200, %mul3A_202 : i32
          %get3A_204 = arith.index_cast %mul3A_203 : i32 to index
          %get3A_205 = tpu.vector_load %arg9[%get3A_204] {strides = array<i32>} : memref<128xi32, #tpu.memory_space<vmem>>, vector<16xi32>,
          %convert_element_type3A_206 = arith.extui %gt3A_192 : i1 to i32
          %cond3A_207 = arith.constant 0 : i32
          %cond3A_208 = arith.cmpi ne, %convert_element_type3A_206, %cond3A_207 : i32
          scf.if %cond3A_208 {
            %mul3A_214 = arith.constant 16 : i32
            %mul3A_215 = arith.muli %scan3A_200, %mul3A_214 : i32
            %get3A_216 = arith.index_cast %mul3A_215 : i32 to index
            %get3A_217 = tpu.vector_load %arg10[%get3A_216] {strides = array<i32>} : memref<128xi32, #tpu.memory_space<vmem>>, vector<16xi32>,
            %eq3A_218 = arith.cmpi eq, %get3A_205, %while3A#3 : vector<16xi32>
            %jit3A_219 = arith.constant 1 : i32
            %broadcast_in_dim3A_220 = vector.broadcast %jit3A_219 : i32 to vector<16xi32>
            %select_n3A_221 = arith.select %eq3A_218, %broadcast_in_dim3A_220, %get3A_217 : vector<16xi1>, vector<16xi32>
            %mul3A_222 = arith.constant 16 : i32
            %mul3A_223 = arith.muli %scan3A_200, %mul3A_222 : i32
            %swap3A_224 = arith.index_cast %mul3A_223 : i32 to index
            %swap3A_225 = tpu.vector_load %arg10[%swap3A_224] {strides = array<i32>} : memref<128xi32, #tpu.memory_space<vmem>>, vector<16xi32>,
            tpu.vector_store %arg10[%swap3A_224], %select_n3A_221 {strides = array<i32>} : memref<128xi32, #tpu.memory_space<vmem>>, vector<16xi32>,
          } else {
          }
          %not3A = arith.constant true
          %not3A_209 = arith.xori %gt3A_192, %not3A : i1
          %convert_element_type3A_210 = arith.extui %not3A_209 : i1 to i32
          %cond3A_211 = arith.constant 0 : i32
          %cond3A_212 = arith.cmpi ne, %convert_element_type3A_210, %cond3A_211 : i32
          scf.if %cond3A_212 {
            %eq3A_214 = arith.cmpi eq, %get3A_205, %while3A#4 : vector<16xi32>
            %select_n3A_215 = arith.select %eq3A_214, %while3A#3, %get3A_205 : vector<16xi1>, vector<16xi32>
            %mul3A_216 = arith.constant 16 : i32
            %mul3A_217 = arith.muli %scan3A_200, %mul3A_216 : i32
            %swap3A_218 = arith.index_cast %mul3A_217 : i32 to index
            %swap3A_219 = tpu.vector_load %arg9[%swap3A_218] {strides = array<i32>} : memref<128xi32, #tpu.memory_space<vmem>>, vector<16xi32>,
            tpu.vector_store %arg9[%swap3A_218], %select_n3A_215 {strides = array<i32>} : memref<128xi32, #tpu.memory_space<vmem>>, vector<16xi32>,
          } else {
          }
          %scan3A_213 = arith.constant 0 : i32
          scf.yield %scan3A_213 : i32
        }
        %scan3A_199 = arith.constant 8 : i32
        scf.yield %add3A_136 : f32
      }
      %scan3A_22 = arith.constant 128 : i32
      %eq3A = arith.constant 0 : i32
      %eq3A_23 = vector.broadcast %eq3A : i32 to vector<16xi32>
      %eq3A_24 = arith.cmpi eq, %iota3A, %eq3A_23 : vector<16xi32>
      %jit3A = arith.constant 0.000000e+00 : f32
      %broadcast_in_dim3A = vector.broadcast %scan3A_21 : f32 to vector<16xf32>
      %broadcast_in_dim3A_25 = vector.broadcast %jit3A : f32 to vector<16xf32>
      %select_n3A = arith.select %eq3A_24, %broadcast_in_dim3A, %broadcast_in_dim3A_25 : vector<16xi1>, vector<16xf32>
      %swap3A = arith.constant 0 : index
      %swap3A_26 = tpu.vector_load %arg12[%swap3A] {strides = array<i32>} : memref<16xf32, #tpu.memory_space<vmem>>, vector<16xf32>,
      tpu.vector_store %arg12[%swap3A], %select_n3A {strides = array<i32>} : memref<16xf32, #tpu.memory_space<vmem>>, vector<16xf32>,
      "tpu.region"() ({
        %run_scoped3A = tpu.sem_alloc : memref<!tpu.dma_semaphore, #tpu.memory_space<semaphore_mem>>
        %dma_start3A = arith.constant 0 : i32
        %dma_start3A_27 = tpu.memref_slice %arg3[%add3A, %dma_start3A] : memref<16x16xf32, #tpu.memory_space<hbm>> -> memref<1x16xf32, #tpu.memory_space<hbm>>
        %dma_start3A_28 = tpu.memref_squeeze %dma_start3A_27 : memref<1x16xf32, #tpu.memory_space<hbm>> -> memref<16xf32, #tpu.memory_space<hbm>>
        %dma_start3A_29 = arith.constant 0 : i32
        %dma_start3A_30 = tpu.memref_slice %arg3[%add3A, %dma_start3A_29] : memref<16x16xf32, #tpu.memory_space<hbm>> -> memref<1x16xf32, #tpu.memory_space<hbm>>
        %dma_start3A_31 = tpu.memref_squeeze %dma_start3A_30 : memref<1x16xf32, #tpu.memory_space<hbm>> -> memref<16xf32, #tpu.memory_space<hbm>>
        tpu.enqueue_dma source(%arg12 : memref<16xf32, #tpu.memory_space<vmem>>) target(%dma_start3A_31 : memref<16xf32, #tpu.memory_space<hbm>>) target_semaphore(%run_scoped3A : memref<!tpu.dma_semaphore, #tpu.memory_space<semaphore_mem>>)
        %dma_wait3A = arith.constant 0 : i32
        %dma_wait3A_32 = tpu.memref_slice %arg3[%add3A, %dma_wait3A] : memref<16x16xf32, #tpu.memory_space<hbm>> -> memref<1x16xf32, #tpu.memory_space<hbm>>
        %dma_wait3A_33 = tpu.memref_squeeze %dma_wait3A_32 : memref<1x16xf32, #tpu.memory_space<hbm>> -> memref<16xf32, #tpu.memory_space<hbm>>
        %dma_wait3A_34 = arith.constant 0 : i32
        %dma_wait3A_35 = tpu.memref_slice %arg3[%add3A, %dma_wait3A_34] : memref<16x16xf32, #tpu.memory_space<hbm>> -> memref<1x16xf32, #tpu.memory_space<hbm>>
        %dma_wait3A_36 = tpu.memref_squeeze %dma_wait3A_35 : memref<1x16xf32, #tpu.memory_space<hbm>> -> memref<16xf32, #tpu.memory_space<hbm>>
        tpu.wait_dma2 semaphore(%run_scoped3A : memref<!tpu.dma_semaphore, #tpu.memory_space<semaphore_mem>>) src(%arg12 : memref<16xf32, #tpu.memory_space<vmem>>) dst(%dma_wait3A_36 : memref<16xf32, #tpu.memory_space<hbm>>)
        tpu.yield
      }) : () -> ()
      "tpu.region"() ({
        %run_scoped3A = tpu.sem_alloc : memref<!tpu.dma_semaphore, #tpu.memory_space<semaphore_mem>>
        %dma_start3A = arith.constant 0 : i32
        %dma_start3A_27 = tpu.memref_slice %arg4[%add3A, %dma_start3A] : memref<16x384xi32, #tpu.memory_space<hbm>> -> memref<1x384xi32, #tpu.memory_space<hbm>>
        %dma_start3A_28 = tpu.memref_squeeze %dma_start3A_27 : memref<1x384xi32, #tpu.memory_space<hbm>> -> memref<384xi32, #tpu.memory_space<hbm>>
        %dma_start3A_29 = arith.constant 0 : i32
        %dma_start3A_30 = tpu.memref_slice %arg4[%add3A, %dma_start3A_29] : memref<16x384xi32, #tpu.memory_space<hbm>> -> memref<1x384xi32, #tpu.memory_space<hbm>>
        %dma_start3A_31 = tpu.memref_squeeze %dma_start3A_30 : memref<1x384xi32, #tpu.memory_space<hbm>> -> memref<384xi32, #tpu.memory_space<hbm>>
        tpu.enqueue_dma source(%arg11 : memref<384xi32, #tpu.memory_space<vmem>>) target(%dma_start3A_31 : memref<384xi32, #tpu.memory_space<hbm>>) target_semaphore(%run_scoped3A : memref<!tpu.dma_semaphore, #tpu.memory_space<semaphore_mem>>)
        %dma_wait3A = arith.constant 0 : i32
        %dma_wait3A_32 = tpu.memref_slice %arg4[%add3A, %dma_wait3A] : memref<16x384xi32, #tpu.memory_space<hbm>> -> memref<1x384xi32, #tpu.memory_space<hbm>>
        %dma_wait3A_33 = tpu.memref_squeeze %dma_wait3A_32 : memref<1x384xi32, #tpu.memory_space<hbm>> -> memref<384xi32, #tpu.memory_space<hbm>>
        %dma_wait3A_34 = arith.constant 0 : i32
        %dma_wait3A_35 = tpu.memref_slice %arg4[%add3A, %dma_wait3A_34] : memref<16x384xi32, #tpu.memory_space<hbm>> -> memref<1x384xi32, #tpu.memory_space<hbm>>
        %dma_wait3A_36 = tpu.memref_squeeze %dma_wait3A_35 : memref<1x384xi32, #tpu.memory_space<hbm>> -> memref<384xi32, #tpu.memory_space<hbm>>
        tpu.wait_dma2 semaphore(%run_scoped3A : memref<!tpu.dma_semaphore, #tpu.memory_space<semaphore_mem>>) src(%arg11 : memref<384xi32, #tpu.memory_space<vmem>>) dst(%dma_wait3A_36 : memref<384xi32, #tpu.memory_space<hbm>>)
        tpu.yield
      }) : () -> ()
    } else {
    }
    return
  }
}

</mosaic_0001>

<sc_bundles>
// kernel: kernel.3.cloned.1.call-start
scs
__scs_entry_jumppad:
0x0: {  	(pc) =	sbr.rel $0x88, $3  }
0x1: {  	(tag) =	ssettag $0x0;
	lr =	simm.s32 $0x1  }
0x2: {  	[smem:$0x3FA0] =	sst lr;
	_ =	strace $0xD0000000  }
0x3: {  	_ = 	snop  }
0x4: {  	_ = 	snop  }
0x5: {  	_ = 	snop  }
0x6: {  	_ = 	snop  }
0x7: {  	_ = 	snop  }
__scs_overlays_trampoline_lowered:
0x8: {  	[smem:$0x3FAF] =	sst s0  }
0x9: {  	[smem:$0x3FB0] =	sst s1  }
0xa: {  	[smem:$0x3FB1] =	sst s2  }
0xb: {  	[smem:$0x3FB2] =	sst s3  }
0xc: {  	[smem:$0x3FB3] =	sst s4  }
0xd: {  	[smem:$0x3FB4] =	sst s5  }
0xe: {  	[smem:$0x3FB5] =	sst s6  }
0xf: {  	[smem:$0x3FB6] =	sst s7  }
0x10: {  	[smem:$0x3FB7] =	sst s8  }
0x11: {  	[smem:$0x3FB8] =	sst s9;
	s0 =	simm.s32 @!p0 $0x0  }
0x12: {  	s1 =	sld [smem:$0x3F9E];
	s0 =	simm.s32 @p0 $0x1  }
0x13: {  	[smem:$0x3FB9] =	sst s0;
	s0 =	simm.s32 @!p1 $0x0  }
0x14: {  	s2 =	sld [smem:$0x3F9D];
	s0 =	simm.s32 @p1 $0x1  }
0x15: {  	[smem:$0x3FBA] =	sst s0;
	s0 =	simm.s32 @!p2 $0x0  }
0x16: {  	s3 =	sld [smem:$0x3FDB];
	s0 =	simm.s32 @p2 $0x1  }
0x17: {  	s4 =	simm.s32 $0x1BF5;
	[smem:$0x3FBC] =	sst s0  }
0x18: {  	s0 =	sld [smem:$0x3F9F];
	_ =	swait.ge [sflag:s4], $0x0  }
0x19: {  	s7 =	sld [smem:$0x3FA0]  }
0x1a: {  	s8 =	sadd.s32 $0xFFFFE003, lr  }
0x1b: {  	s9 =	sadd.s32 $0xFFFFFEF7, lr;
	s5 =	simm.s32 $0xFFFFFFFF;
	p2 =	slt.u32 s8, $0xFFFFF086  }
0x1c: {  	p1 =	slt.u32 s9, $0xF7A;
	s5 =	simm.s32 @!p2 $0x0  }
0x1d: {  	s5 =	simm.s32 @p1 $0x1;
	p0 =	seq.s32 s7, s2  }
0x1e: {  	s7 =	smul.u32 @!p0 $0xF7A, s2;
	p2 =	seq.s32 @!p0 s5, $0x0  }
0x1f: {  	s9 =	smul.u32 $0xF7A, s1;
	s8 =	simm.s32 @!p0 $0x1BF5;
	p2 =	por !p2, p0  }
0x20: {  	[sflag:s8] =	ssyncset.s32 @!p0 $0xFFFFF086;
	s6 =	sadd.s32 @!p0 s3, s7;
	s7 =	simm.s32 @!p0 $0x108  }
0x21: {  	s3 =	sadd.s32 s3, s9;
	s6 =	sadd.s32 @!p0 $0x88, s6;
	s7 =	simm.s32 @p2 $0x1082  }
0x22: {  	[simem:s7], [sflag:s8] =	dma.local @!p0 [hbm:s6], $0xF7A  }
0x23: {  	s9 =	sor.u32 $0xD0000000, s2;
	s6 =	simm.s32 $0x108;
	_ =	swait.ge @!p0 [sflag:s8], $0x0  }
0x24: {  	s3 =	sadd.s32 $0x88, s3;
	s6 =	simm.s32 @!p1 $0x1082;
	[sflag:s4] =	ssyncset.s32 $0xFFFFF086  }
0x25: {  	[simem:s6], [sflag:s4] =	dma.local [hbm:s3], $0xF7A  }
0x26: {  	[smem:$0x3FA0] =	sst s1;
	(tag) =	ssettag s2;
	_ =	strace s9  }
0x27: {  	s1 =	sld [smem:$0x3FB0]  }
0x28: {  	s2 =	sld [smem:$0x3FB1]  }
0x29: {  	s4 =	sld [smem:$0x3FB3]  }
0x2a: {  	p0 =	seq.s32 s5, $0x0;
	s5 =	sld [smem:$0x3FB4]  }
0x2b: {  	s6 =	sld [smem:$0x3FB5]  }
0x2c: {  	s7 =	sld [smem:$0x3FB6]  }
0x2d: {  	s3 =	simm.s32 $0x108;
	s8 =	sld [smem:$0x3FB7]  }
0x2e: {  	s3 =	simm.s32 @!p0 $0x1082;
	s9 =	sld [smem:$0x3FB8]  }
0x2f: {  	lr =	sadd.s32 s0, s3;
	s0 =	sld [smem:$0x3FAF]  }
0x30: {  	s3 =	sld [smem:$0x3FB2]  }
0x31: {  	[smem:$0x3FBB] =	sst s10  }
0x32: {  	s10 =	sld [smem:$0x3FB9];
	_ =	sdelay $0x3  }
0x33: {  	p0 =	seq.s32 s10, $0x1;
	s10 =	sld [smem:$0x3FBB];
	_ =	sdelay $0x3  }
0x34: {  	[smem:$0x3FBB] =	sst s10  }
0x35: {  	s10 =	sld [smem:$0x3FBA];
	_ =	sdelay $0x3  }
0x36: {  	p1 =	seq.s32 s10, $0x1;
	s10 =	sld [smem:$0x3FBB];
	_ =	sdelay $0x3  }
0x37: {  	[smem:$0x3FBB] =	sst s10  }
0x38: {  	s10 =	sld [smem:$0x3FBC]  }
0x39: {  	_ = 	snop;
	(pc) =	sbr.ind lr, $3  }
0x3a: {  	_ = 	snop  }
0x3b: {  	_ = 	snop  }
0x3c: {  	p2 =	seq.s32 s10, $0x1;
	s10 =	sld [smem:$0x3FBB]  }
0x3d: {  	_ =	shalt  }
0x3e: {  	_ =	shalt  }
0x3f: {  	_ =	shalt  }
0x40: {  	_ =	shalt  }
0x41: {  	_ =	shalt  }
0x42: {  	_ =	shalt  }
0x43: {  	_ =	shalt  }
0x44: {  	_ =	shalt  }
0x45: {  	_ =	shalt  }
0x46: {  	_ =	shalt  }
0x47: {  	_ =	shalt  }
0x48: {  	_ =	shalt  }
0x49: {  	_ =	shalt  }
0x4a: {  	_ =	shalt  }
0x4b: {  	_ =	shalt  }
0x4c: {  	_ =	shalt  }
0x4d: {  	_ =	shalt  }
0x4e: {  	_ =	shalt  }
0x4f: {  	_ =	shalt  }
0x50: {  	_ =	shalt  }
0x51: {  	_ =	shalt  }
0x52: {  	_ =	shalt  }
0x53: {  	_ =	shalt  }
0x54: {  	_ =	shalt  }
0x55: {  	_ =	shalt  }
0x56: {  	_ =	shalt  }
0x57: {  	_ =	shalt  }
0x58: {  	_ =	shalt  }
0x59: {  	_ =	shalt  }
0x5a: {  	_ =	shalt  }
0x5b: {  	_ =	shalt  }
0x5c: {  	_ =	shalt  }
0x5d: {  	_ =	shalt  }
0x5e: {  	_ =	shalt  }
0x5f: {  	_ =	shalt  }
0x60: {  	_ =	shalt  }
0x61: {  	_ =	shalt  }
0x62: {  	_ =	shalt  }
0x63: {  	_ =	shalt  }
0x64: {  	_ =	shalt  }
0x65: {  	_ =	shalt  }
0x66: {  	_ =	shalt  }
0x67: {  	_ =	shalt  }
0x68: {  	_ =	shalt  }
0x69: {  	_ =	shalt  }
0x6a: {  	_ =	shalt  }
0x6b: {  	_ =	shalt  }
0x6c: {  	_ =	shalt  }
0x6d: {  	_ =	shalt  }
0x6e: {  	_ =	shalt  }
0x6f: {  	_ =	shalt  }
0x70: {  	_ =	shalt  }
0x71: {  	_ =	shalt  }
0x72: {  	_ =	shalt  }
0x73: {  	_ =	shalt  }
0x74: {  	_ =	shalt  }
0x75: {  	_ =	shalt  }
0x76: {  	_ =	shalt  }
0x77: {  	_ =	shalt  }
0x78: {  	_ =	shalt  }
0x79: {  	_ =	shalt  }
0x7a: {  	_ =	shalt  }
0x7b: {  	_ =	shalt  }
0x7c: {  	_ =	shalt  }
0x7d: {  	_ =	shalt  }
0x7e: {  	_ =	shalt  }
0x7f: {  	_ =	shalt  }
0x80: {  	_ =	shalt  }
0x81: {  	_ =	shalt  }
0x82: {  	_ =	shalt  }
0x83: {  	_ =	shalt  }
0x84: {  	_ =	shalt  }
0x85: {  	_ =	shalt  }
0x86: {  	_ =	shalt  }
0x87: {  	_ =	shalt  }
.Lfunc_end0:
.L_simem_size_0:
called_computation_lowered:
.L_overlay_start_0:
0x88: {  	s2 =	sld [smem:$0x3FD9]  }
0x89: {  	s3 =	sld [smem:$0x3FFE];
	_ =	sdelay $0x1  }
0x8a: {  	s1 =	srdreg.scid  }
0x8b: {  	s0 =	sand.u32 $0x1, s1  }
0x8c: {  	s14 =	sshll.u32 s0, $0xA;
	s2 =	sadd.s32 s3, s2  }
0x8d: {  	s2 =	sadd.s32 s2, s14  }
0x8e: {  	[smem:$0x3FC7] =	sst s2  }
0x8f: {  	_ = 	snop  }
0x90: {  	s2 =	sld [smem:$0x3FD0];
	_ =	sdelay $0x2  }
0x91: {  	s15 =	simm.s32 $0xA;
	s4 =	simm.s32 $0x10  }
0x92: {  	[smem:s4], [sflag:s15] =	dma.local [hbm:s2], $0x1  }
0x93: {  	_ =	swait.eq [sflag:s15], $0x1  }
0x94: {  	[sflag:s15] =	ssyncset.done $0x0  }
0x95: {  	[sflag:s15] =	ssyncadd.s32 $0xFFFFFFFF  }
0x96: {  	s16 =	sld [smem:$0x11];
	(tm) =	ssettm $0x1  }
0x97: {  	s17 =	sld [smem:$0x3FFB];
	_ =	sdelay $0x3  }
0x98: {  	_ =	strace s17  }
0x99: {  	s3 =	sld [smem:$0x3FFC];
	_ =	sdelay $0x3  }
0x9a: {  	_ =	strace s3  }
0x9b: {  	s3 =	sld [smem:$0x3FFD];
	_ =	sdelay $0x3  }
0x9c: {  	_ =	strace s3  }
0x9d: {  	_ =	strace $0x8FFFFFFF  }
0x9e: {  	s18 =	sld [smem:$0x3FDB];
	_ =	sdelay $0x1  }
0x9f: {  	s19 =	simm.s32 $_scs_section_size  }
0xa0: {  	s5 =	simm.s32 $_size__tile_overlayer_lowered;
	s6 =	simm.s32 $_tile_overlayer_lowered  }
0xa1: {  	s22 =	simm.s32 $0x1BFF;
	s21 =	sshll.u32 s6, $0x1;
	s3 =	sadd.s32 s19, s18  }
0xa2: {  	s7 =	simm.s32 $0x0;
	s20 =	sshll.u32 s5, $0x1;
	s5 =	sadd.s32 s21, s3  }
0xa3: {  	[timem:s7], [sflag:s22] =	dma.local [hbm:s5], s20  }
0xa4: {  	_ =	swait.ge [sflag:s22], s20  }
0xa5: {  	s4 =	ssub.s32 $0x0, s20;
	[sflag:s22] =	ssyncset.done $0x0  }
0xa6: {  	[sflag:s22] =	ssyncadd.s32 s4;
	_ =	sdelay $0x1  }
0xa7: {  	s23 =	simm.s32 $0x1B8B  }
0xa8: {  	_ =	swait.ge [sflag:s23], $0x1  }
0xa9: {  	[sflag:s23] =	ssyncset.done $0x0  }
0xaa: {  	s25 =	simm.s32 $0x1B8E;
	s24 =	sld [smem:$0x3FFE];
	[sflag:s23] =	ssyncadd.s32 $0xFFFFFFFF  }
0xab: {  	s26 =	simm.s32 $execute0_lowered;
	[smem:$0x3FD2] =	sst s25  }
0xac: {  	s5 =	sshll.u32 s26, $0x1;
	_ =	strace $0x80000046;
	[dreg:$0x1] =	wrdreg $0xFFFFFFFF  }
0xad: {  	s28 =	simm.s32 $_size_execute0_lowered;
	s3 =	sadd.s32 s3, s5;
	[dreg:$0x0] =	wrdreg $0x0  }
0xae: {  	s5 =	sshll.u32 s28, $0x1;
	[dreg:$0x2] =	wrdreg s3  }
0xaf: {  	[dreg:$0x3] =	wrdreg s5  }
0xb0: {  	[dreg:$0x4] =	wrdreg $0xC0  }
0xb1: {  	_ =	task [dreg:s7], $0x5FFFF  }
0xb2: {  	[dreg:$0x1] =	wrdreg $0xFFFFFFFF  }
0xb3: {  	[dreg:$0x0] =	wrdreg $0x60  }
0xb4: {  	[dreg:$0x2] =	wrdreg s24  }
0xb5: {  	[dreg:$0x3] =	wrdreg s16  }
0xb6: {  	[dreg:$0x4] =	wrdreg $0x9  }
0xb7: {  	_ =	task.clear_ibuf [dreg:s7], $0x5FFFF;
	_ =	strace $0x90000046  }
0xb8: {  	s29 =	simm.s32 $0x9;
	_ =	strace $0x80000048  }
0xb9: {  	_ =	swait.ge [sflag:s29], $0x1  }
0xba: {  	[sflag:s29] =	ssyncadd.s32 $0xFFFFFFFF  }
0xbb: {  	_ =	strace $0x90000048  }
0xbc: {  	_ =	sfence  }
0xbd: {  	s30 =	sld [smem:$0x0];
	_ =	sdelay $0x2  }
0xbe: {  	s31 =	sshll.u32 s1, $0xD;
	s1 =	sshrl.u32 s1, $0x2  }
0xbf: {  	s3 =	sand.u32 $0x4000, s31;
	s1 =	sadd.s32 s1, s30  }
0xc0: {  	s0 =	sor.u32 s3, s0;
	s1 =	sshll.u32 s1, $0x11  }
0xc1: {  	s0 =	sor.u32 s1, s0  }
0xc2: {  	s0 =	sadd.s32 $0x8F2B, s0  }
0xc3: {  	[sflag:s0] =	ssyncadd.remote.s32 $0x1  }
0xc4: {  	_ =	sfence.sel $0xFFFF  }
0xc5: {  	[dreg:$0x0] =	wrdreg $0xFFFFFFFF;
	(pc) =	sbr.abs _section_cstart, $3  }
0xc6: {  	[dreg:$0x1] =	wrdreg $0xFFFFFFFF  }
0xc7: {  	_ =	task.clear_ibuf [dreg:s7], $0x2FFFF;
	_ =	strace $0x9FFFFFFF  }
0xc8: {  	(tm) =	ssettm $0x7FFFFFFF  }
0xc9: {  	_ =	shalt  }
tec
execute0_lowered:
.L_overlay_start_1:
0x0: {  	(tag) =	ssettag $0x1  }
0x1: {  	s1 =	stileid.u32  }
0x2: {  	p0 =	sgt.u32 s1, $0x7  }
.Ltmp0:
0x3: {  	_ = 	snop;
	(pc) =	sbr.rel @p0 .LBB2_11-.Ltmp0, $4  }
0x4: {  	s3 =	rddreg [dreg:$0x0]  }
0x5: {  	s4 =	rddreg [dreg:$0x1];
	s2 =	simm.s32 $0x0  }
0x6: {  	[smem:$0x7FF] =	sst s2  }
0x7: {  	s0 =	rddreg [dreg:$0x2];
	_ =	strace $0x80000047  }
0x8: {  	s5 =	srdreg.scid;
	s6 =	sshll.u32 s1, $0x8;
	s7 =	sshrl.u32 s1, $0x2  }
0x9: {  	s10 =	sadd.s32 $0x800, s3;
	s11 =	simm.s32 $0x10080;
	s12 =	simm.s32 $0x10100  }
0xa: {  	s13 =	simm.s32 $0x10180;
	s14 =	simm.s32 $0x10200;
	s15 =	simm.s32 $0x10380  }
0xb: {  	s16 =	simm.s32 $0x0;
	s5 =	sand.u32 $0x1, s5;
	s6 =	sand.u32 $0x300, s6  }
0xc: {  	s25 =	sshll.u32 s7, $0xA;
	s9 =	smul.u32 $0xC00, s7;
	s8 =	sshll.u32 s5, $0x7  }
0xd: {  	v0 =	vlaneseq.u32;
	v9 =	vimm.s32 $0x0;
	s7 =	smul.u32 $0x60000, s7;
	s5 =	ssub.s32 $0x2, s5;
	s6 =	sor.u32 s8, s6  }
0xe: {  	v17 =	vimm.s32 $0x2;
	vm0 =	vcmask $0x3F08;
	vm1 =	vcmask $0x300;
	s29 =	sshrl.u32 s5, $0x1;
	s8 =	sor.u32 s25, s6;
	s28 =	sor.u32 s9, s6  }
.Ltmp1:
0xf: {  	v1 =	vor.u32 $0x80000000, v0;
	v2 =	vor.u32 $0x80000010, v0;
	v3 =	vor.u32 $0x80000020, v0;
	s6 =	sor.u32 s7, s6;
	s30 =	ssub.s32 s5, s29;
	(pc) =	sbr.rel .LBB2_2-.Ltmp1, $4  }
0x10: {  	v4 =	vor.u32 $0x80000030, v0;
	v5 =	vor.u32 $0x80000040, v0;
	v6 =	vor.u32 $0x80000050, v0;
	s7 =	simm.s32 $0x80;
	s9 =	simm.s32 $0x1;
	s8 =	sshrl.u32 s8, $0x3  }
0x11: {  	v7 =	vor.u32 $0x80000060, v0;
	v8 =	vor.u32 $0x80000070, v0;
	v10 =	vor.u32 $0x10, v0;
	s31 =	sshrl.u32 s6, $0x3;
	s6 =	smax.u32 s30, $0x1;
	s26 =	sadd.s32 s8, s3  }
0x12: {  	v11 =	vor.u32 $0x20, v0;
	v12 =	vor.u32 $0x30, v0;
	v13 =	vor.u32 $0x40, v0;
	s8 =	sshrl.u32 s28, $0x3;
	s5 =	sadd.s32 s10, s31;
	s10 =	simm.s32 $0x10000  }
0x13: {  	v14 =	vor.u32 $0x50, v0;
	v15 =	vor.u32 $0x60, v0;
	v16 =	vor.u32 $0x70, v0;
	s3 =	sadd.s32 $0x18800, s26;
	s4 =	sadd.s32 s4, s8;
	s8 =	simm.s32 $0x400  }
.LBB2_10:
0x14: {  	v18 =	vmov s17  }
0x15: {  	v18 =	vnsel vm1, $0x0, v18  }
0x16: {  	[tilespmem:$0x10380] =	vst v18  }
0x17: {  	[hbm4b:s3+s2] =	stream.linear.scatter [tilespmem:s15], [sflag:$0x1], $0x80, $0x38;
	[tilespmem:$0x10400] =	vst v63  }
0x18: {  	s16 =	sadd.s32 $0x1, s16;
	_ =	swait.ge [sflag:s9], $0x80  }
0x19: {  	p0 =	sne.s32 s16, s6;
	[sflag:s9] =	ssyncset.done $0x0  }
.Ltmp2:
0x1a: {  	[sflag:s9] =	ssyncadd.s32 $0xFFFFFF80;
	(pc) =	sbr.rel @!p0 .LBB2_11-.Ltmp2, $4  }
0x1b: {  	[hbm4b:s4+s7] =	stream.strided.scatter [tilespmem:s14], [sflag:$0x1], $0x180, s8, s7, $0x38;
	[tilespmem:$0x10400] =	vst v63  }
0x1c: {  	_ =	swait.ge [sflag:s9], $0x180  }
0x1d: {  	[sflag:s9] =	ssyncset.done $0x0  }
0x1e: {  	[sflag:s9] =	ssyncadd.s32 $0xFFFFFE80  }
.LBB2_2:
0x1f: {  	s17 =	simm.s32 $0x0  }
0x20: {  	[tilespmem:s17], [sflag:$0x1] =	stream.strided.gather [hbm4b:s5+s7], $0xC000, s8, s7, $0x38;
	[tilespmem:$0x10400] =	vst v63  }
0x21: {  	_ =	swait.ge [sflag:s9], $0xC000  }
0x22: {  	[sflag:s9] =	ssyncset.done $0x0  }
0x23: {  	s18 =	simm.s32 $0x0;
	[sflag:s9] =	ssyncadd.s32 $0xFFFF4000  }
0x24: {  	v18 =	vld [tilespmem:s18+$0x4070]  }
0x25: {  	v19 =	vld [tilespmem:s18+$0x4060]  }
0x26: {  	v20 =	vld [tilespmem:s18+$0x4050]  }
0x27: {  	v21 =	vld [tilespmem:s18+$0x4040]  }
0x28: {  	v22 =	vld [tilespmem:s18+$0x4030]  }
0x29: {  	v23 =	vld [tilespmem:s18+$0x4020]  }
0x2a: {  	v24 =	vld [tilespmem:s18+$0x4000]  }
0x2b: {  	v25 =	vld [tilespmem:s18+$0x0]  }
0x2c: {  	v26 =	vld [tilespmem:s18+$0x8000]  }
0x2d: {  	v27 =	vld [tilespmem:s18+$0x4010]  }
0x2e: {  	v28 =	vld [tilespmem:s18+$0x10]  }
0x2f: {  	v29 =	vld [tilespmem:s18+$0x8010]  }
0x30: {  	v24 =	vmax.f32 v25, v24;
	v25 =	vld [tilespmem:s18+$0x20]  }
0x31: {  	v24 =	vmax.f32 v24, v26;
	v26 =	vld [tilespmem:s18+$0x8020]  }
0x32: {  	v30 =	vld [tilespmem:s18+$0x30];
	vm2 =	vlt.f32 v24, $-Inf;
	vm3 =	vgt.f32 v24, $-Inf  }
0x33: {  	v56 =	vld [tilespmem:s18+$0x8030];
	v27 =	vmax.f32 v28, v27;
	vm2 =	vmor vm3, vm2  }
0x34: {  	v57 =	vld [tilespmem:s18+$0x40];
	v27 =	vmax.f32 v27, v29;
	v31 =	vnsel vm2, $0xFF800000, v24  }
0x35: {  	vm3 =	vgt.f32 v27, v31;
	v23 =	vmax.f32 v25, v23;
	v25 =	vld [tilespmem:s18+$0x8040]  }
0x36: {  	v31 =	vsel vm3, v27, v31;
	v23 =	vmax.f32 v23, v26;
	v26 =	vld [tilespmem:s18+$0x50]  }
0x37: {  	v58 =	vld [tilespmem:s18+$0x8050];
	v22 =	vmax.f32 v30, v22;
	vm4 =	vgt.f32 v23, v31  }
0x38: {  	v59 =	vld [tilespmem:s18+$0x60];
	v22 =	vmax.f32 v22, v56;
	v31 =	vsel vm4, v23, v31  }
0x39: {  	v60 =	vld [tilespmem:s18+$0x8060];
	v21 =	vmax.f32 v57, v21;
	vm5 =	vgt.f32 v22, v31  }
0x3a: {  	v31 =	vsel vm5, v22, v31;
	v21 =	vmax.f32 v21, v25;
	v25 =	vld [tilespmem:s18+$0x70]  }
0x3b: {  	vm6 =	vgt.f32 v21, v31;
	v20 =	vmax.f32 v26, v20;
	v26 =	vld [tilespmem:s18+$0x8070]  }
0x3c: {  	v20 =	vmax.f32 v20, v58;
	v61 =	vsel vm6, v21, v31  }
0x3d: {  	v19 =	vmax.f32 v59, v19;
	vm7 =	vgt.f32 v20, v61  }
0x3e: {  	v19 =	vmax.f32 v19, v60;
	v62 =	vsel vm7, v20, v61  }
0x3f: {  	v18 =	vmax.f32 v25, v18;
	vm8 =	vgt.f32 v19, v62  }
0x40: {  	v25 =	vsel vm8, v19, v62;
	v18 =	vmax.f32 v18, v26  }
0x41: {  	vm9 =	vgt.f32 v18, v25  }
0x42: {  	v25 =	vsel vm9, v18, v25  }
0x43: {  	(xrf0) =	vmax.scan.msk.f32 $0xffff, v25;
	_ =	sdelay $0x1  }
0x44: {  	v26 =	vnsel vm2, $0x80000000, v1  }
0x45: {  	v26 =	vsel vm3, v2, v26  }
0x46: {  	v26 =	vsel vm4, v3, v26  }
0x47: {  	v26 =	vsel vm5, v4, v26  }
0x48: {  	v26 =	vsel vm6, v5, v26;
	v63, _, _ =	vpop (xrf0)  }
0x49: {  	v26 =	vsel vm7, v6, v26;
	v28 =	vbroadcast v63, $0xF  }
0x4a: {  	v26 =	vsel vm8, v7, v26  }
0x4b: {  	vm2 =	veq.f32 v25, v28;
	v25 =	vsel vm9, v8, v26  }
0x4c: {  	v25 =	vnsel vm2, $0xC0000000, v25  }
0x4d: {  	(xrf0) =	vmin.scan.msk.u32 $0xffff, v25;
	_ =	sdelay $0x5  }
0x4e: {  	v25, _, _ =	vpop (xrf0)  }
0x4f: {  	(v2sf) =	vpush v25, $0xF;
	_ =	sdelay $0x8  }
0x50: {  	[tilespmem:s18+$0xC000] =	vst v24  }
0x51: {  	[tilespmem:s18+$0xC010] =	vst v27  }
0x52: {  	[tilespmem:s18+$0xC030] =	vst v22  }
0x53: {  	[tilespmem:s18+$0xC060] =	vst v19;
	v22 =	vmov s17  }
0x54: {  	[tilespmem:s18+$0xC020] =	vst v23  }
0x55: {  	[tilespmem:s18+$0xC040] =	vst v21  }
0x56: {  	[tilespmem:s18+$0xC050] =	vst v20;
	s19 =	spop (v2sf)  }
0x57: {  	[tilespmem:s18+$0xC070] =	vst v18;
	s31 =	sxor.u32 $0x80000000, s19  }
0x58: {  	[tilespmem:v22+s10+$0x0] =	vst.idx.msk $0x1, v28;
	v18 =	vmov s31  }
0x59: {  	s18 =	simm.s32 $0x80;
	[tilespmem:v22+s11+$0x0] =	vst.idx.msk $0x1, v18  }
0x5a: {  	v18 =	vld [tilespmem:s18+$0x4070]  }
0x5b: {  	v19 =	vld [tilespmem:s18+$0x4060]  }
0x5c: {  	v20 =	vld [tilespmem:s18+$0x4050]  }
0x5d: {  	v21 =	vld [tilespmem:s18+$0x4040]  }
0x5e: {  	v22 =	vld [tilespmem:s18+$0x4030]  }
0x5f: {  	v23 =	vld [tilespmem:s18+$0x4020]  }
0x60: {  	s19 =	simm.s32 $0x400;
	v24 =	vld [tilespmem:s18+$0x4000]  }
.LBB2_3:
0x61: {  	p0 =	sne.s32 s19, $0xFE00;
	v25 =	vld [tilespmem:s18+$0x0]  }
0x62: {  	v26 =	vld [tilespmem:s18+$0x8000]  }
0x63: {  	v27 =	vld [tilespmem:s18+$0x4010]  }
0x64: {  	v28 =	vld [tilespmem:s18+$0x10]  }
0x65: {  	v29 =	vld [tilespmem:s18+$0x8010]  }
0x66: {  	v24 =	vmax.f32 v25, v24;
	v25 =	vld [tilespmem:s18+$0x20]  }
0x67: {  	v24 =	vmax.f32 v24, v26;
	v26 =	vld [tilespmem:s18+$0x8020]  }
0x68: {  	[tilespmem:s18+$0xC000] =	vst v24;
	vm2 =	vlt.f32 v24, $-Inf;
	vm3 =	vgt.f32 v24, $-Inf;
	v30 =	vld [tilespmem:s18+$0x30]  }
0x69: {  	vm2 =	vmor vm3, vm2;
	v27 =	vmax.f32 v28, v27;
	v28 =	vld [tilespmem:s18+$0x8030]  }
0x6a: {  	v24 =	vnsel vm2, $0xFF800000, v24;
	v27 =	vmax.f32 v27, v29;
	v29 =	vld [tilespmem:s18+$0x40]  }
0x6b: {  	[tilespmem:s18+$0xC010] =	vst v27;
	vm3 =	vgt.f32 v27, v24;
	v23 =	vmax.f32 v25, v23;
	v25 =	vld [tilespmem:s18+$0x8040]  }
0x6c: {  	v24 =	vsel vm3, v27, v24;
	v23 =	vmax.f32 v23, v26;
	v26 =	vld [tilespmem:s18+$0x50]  }
0x6d: {  	[tilespmem:s18+$0xC020] =	vst v23;
	vm4 =	vgt.f32 v23, v24;
	v22 =	vmax.f32 v30, v22;
	v27 =	vld [tilespmem:s18+$0x8050]  }
0x6e: {  	v23 =	vsel vm4, v23, v24;
	v22 =	vmax.f32 v22, v28;
	v24 =	vld [tilespmem:s18+$0x60]  }
0x6f: {  	[tilespmem:s18+$0xC030] =	vst v22;
	vm5 =	vgt.f32 v22, v23;
	v21 =	vmax.f32 v29, v21;
	v28 =	vld [tilespmem:s18+$0x8060]  }
0x70: {  	v22 =	vsel vm5, v22, v23;
	v21 =	vmax.f32 v21, v25;
	v23 =	vld [tilespmem:s18+$0x70]  }
0x71: {  	[tilespmem:s18+$0xC040] =	vst v21;
	vm6 =	vgt.f32 v21, v22;
	v20 =	vmax.f32 v26, v20;
	v25 =	vld [tilespmem:s18+$0x8070]  }
0x72: {  	v21 =	vsel vm6, v21, v22;
	v20 =	vmax.f32 v20, v27  }
0x73: {  	[tilespmem:s18+$0xC050] =	vst v20;
	vm7 =	vgt.f32 v20, v21;
	v19 =	vmax.f32 v24, v19  }
0x74: {  	v20 =	vsel vm7, v20, v21;
	v19 =	vmax.f32 v19, v28  }
0x75: {  	[tilespmem:s18+$0xC060] =	vst v19;
	vm8 =	vgt.f32 v19, v20;
	v18 =	vmax.f32 v23, v18  }
0x76: {  	v19 =	vsel vm8, v19, v20;
	v18 =	vmax.f32 v18, v25  }
0x77: {  	[tilespmem:s18+$0xC070] =	vst v18;
	vm9 =	vgt.f32 v18, v19  }
0x78: {  	v18 =	vsel vm9, v18, v19  }
0x79: {  	(xrf0) =	vmax.scan.msk.f32 $0xffff, v18;
	_ =	sdelay $0x1  }
0x7a: {  	v19 =	vnsel vm2, $0x80000000, v1  }
0x7b: {  	s17 =	sadd.s32 $0x1, s17;
	v19 =	vsel vm3, v2, v19  }
0x7c: {  	v20 =	vmov s17;
	v19 =	vsel vm4, v3, v19  }
0x7d: {  	v19 =	vsel vm5, v4, v19  }
0x7e: {  	v19 =	vsel vm6, v5, v19;
	v21, _, _ =	vpop (xrf0)  }
0x7f: {  	v19 =	vsel vm7, v6, v19;
	v21 =	vbroadcast v21, $0xF  }
0x80: {  	v19 =	vsel vm8, v7, v19  }
0x81: {  	vm2 =	veq.f32 v18, v21;
	v18 =	vsel vm9, v8, v19;
	[tilespmem:v20+s10+$0x0] =	vst.idx.msk $0x1, v21  }
0x82: {  	v18 =	vnsel vm2, $0xC0000000, v18  }
0x83: {  	(xrf0) =	vmin.scan.msk.u32 $0xffff, v18;
	_ =	sdelay $0x5  }
0x84: {  	v18, _, _ =	vpop (xrf0)  }
0x85: {  	(v2sf) =	vpush v18, $0xF;
	_ =	sdelay $0xe  }
0x86: {  	s18 =	spop (v2sf)  }
0x87: {  	s18 =	sxor.u32 $0x80000000, s18  }
0x88: {  	v18 =	vmov s18  }
0x89: {  	s18 =	sshra.s32 s19, $0x2;
	[tilespmem:v20+s11+$0x0] =	vst.idx.msk $0x1, v18  }
0x8a: {  	v18 =	vld [tilespmem:s18+$0x4070]  }
0x8b: {  	v19 =	vld [tilespmem:s18+$0x4060]  }
.Ltmp3:
0x8c: {  	v20 =	vld [tilespmem:s18+$0x4050];
	(pc) =	sbr.rel @p0 .LBB2_3-.Ltmp3, $4  }
0x8d: {  	v21 =	vld [tilespmem:s18+$0x4040]  }
0x8e: {  	v22 =	vld [tilespmem:s18+$0x4030]  }
0x8f: {  	v23 =	vld [tilespmem:s18+$0x4020]  }
0x90: {  	s19 =	sadd.s32 $0x200, s19;
	v24 =	vld [tilespmem:s18+$0x4000]  }
0x91: {  	v25 =	vld [tilespmem:s18+$0x0]  }
0x92: {  	v26 =	vld [tilespmem:s18+$0x8000]  }
0x93: {  	v27 =	vld [tilespmem:s18+$0x4010]  }
0x94: {  	v28 =	vld [tilespmem:s18+$0x10]  }
0x95: {  	v29 =	vld [tilespmem:s18+$0x8010]  }
0x96: {  	v49 =	vld [tilespmem:s18+$0x20];
	v24 =	vmax.f32 v25, v24  }
0x97: {  	v50 =	vld [tilespmem:s18+$0x8020];
	v24 =	vmax.f32 v24, v26  }
0x98: {  	v30 =	vld [tilespmem:s18+$0x30];
	vm2 =	vlt.f32 v24, $-Inf;
	vm3 =	vgt.f32 v24, $-Inf  }
0x99: {  	v51 =	vld [tilespmem:s18+$0x8030];
	v27 =	vmax.f32 v28, v27;
	vm2 =	vmor vm3, vm2  }
0x9a: {  	v52 =	vld [tilespmem:s18+$0x40];
	v27 =	vmax.f32 v27, v29;
	[tilespmem:s18+$0xC000] =	vst v24;
	v24 =	vnsel vm2, $0xFF800000, v24  }
0x9b: {  	v53 =	vld [tilespmem:s18+$0x8040];
	v23 =	vmax.f32 v49, v23;
	vm3 =	vgt.f32 v27, v24  }
0x9c: {  	v54 =	vld [tilespmem:s18+$0x50];
	v23 =	vmax.f32 v23, v50;
	v24 =	vsel vm3, v27, v24  }
0x9d: {  	v55 =	vld [tilespmem:s18+$0x8050];
	v22 =	vmax.f32 v30, v22;
	vm4 =	vgt.f32 v23, v24  }
0x9e: {  	v56 =	vld [tilespmem:s18+$0x60];
	v22 =	vmax.f32 v22, v51;
	[tilespmem:s18+$0xC020] =	vst v23;
	v23 =	vsel vm4, v23, v24  }
0x9f: {  	v57 =	vld [tilespmem:s18+$0x8060];
	v21 =	vmax.f32 v52, v21;
	vm5 =	vgt.f32 v22, v23  }
0xa0: {  	v58 =	vld [tilespmem:s18+$0x70];
	v21 =	vmax.f32 v21, v53;
	[tilespmem:s18+$0xC030] =	vst v22;
	v22 =	vsel vm5, v22, v23  }
0xa1: {  	v59 =	vld [tilespmem:s18+$0x8070];
	v20 =	vmax.f32 v54, v20;
	vm6 =	vgt.f32 v21, v22  }
0xa2: {  	v20 =	vmax.f32 v20, v55;
	[tilespmem:s18+$0xC040] =	vst v21;
	v21 =	vsel vm6, v21, v22  }
0xa3: {  	v19 =	vmax.f32 v56, v19;
	vm7 =	vgt.f32 v20, v21  }
0xa4: {  	v19 =	vmax.f32 v19, v57;
	v21 =	vsel vm7, v20, v21  }
0xa5: {  	v18 =	vmax.f32 v58, v18;
	vm8 =	vgt.f32 v19, v21  }
0xa6: {  	v18 =	vmax.f32 v18, v59;
	v21 =	vsel vm8, v19, v21  }
0xa7: {  	vm9 =	vgt.f32 v18, v21  }
0xa8: {  	v21 =	vsel vm9, v18, v21  }
0xa9: {  	(xrf0) =	vmax.scan.msk.f32 $0xffff, v21;
	_ =	sdelay $0x1  }
0xaa: {  	v60 =	vnsel vm2, $0x80000000, v1  }
0xab: {  	v22 =	vsel vm3, v2, v60  }
0xac: {  	v22 =	vsel vm4, v3, v22  }
0xad: {  	v22 =	vsel vm5, v4, v22  }
0xae: {  	v22 =	vsel vm6, v5, v22;
	v61, _, _ =	vpop (xrf0)  }
0xaf: {  	v22 =	vsel vm7, v6, v22;
	v23 =	vbroadcast v61, $0xF  }
0xb0: {  	v22 =	vsel vm8, v7, v22  }
0xb1: {  	v62 =	vsel vm9, v8, v22;
	vm2 =	veq.f32 v21, v23  }
0xb2: {  	v21 =	vnsel vm2, $0xC0000000, v62  }
0xb3: {  	(xrf0) =	vmin.scan.msk.u32 $0xffff, v21;
	_ =	sdelay $0x5  }
0xb4: {  	v21, _, _ =	vpop (xrf0)  }
0xb5: {  	(v2sf) =	vpush v21, $0xF;
	_ =	sdelay $0xa  }
0xb6: {  	s17 =	sadd.s32 $0x1, s17  }
0xb7: {  	v63 =	vmov s17  }
0xb8: {  	[tilespmem:s18+$0xC010] =	vst v27  }
0xb9: {  	[tilespmem:s18+$0xC050] =	vst v20  }
0xba: {  	[tilespmem:s18+$0xC060] =	vst v19;
	s31 =	spop (v2sf)  }
0xbb: {  	[tilespmem:s18+$0xC070] =	vst v18;
	s17 =	sxor.u32 $0x80000000, s31  }
0xbc: {  	[tilespmem:v63+s10+$0x0] =	vst.idx.msk $0x1, v23;
	v18 =	vmov s17  }
0xbd: {  	[tilespmem:v63+s11+$0x0] =	vst.idx.msk $0x1, v18  }
0xbe: {  	[tilespmem:$0x10100] =	vst v0  }
0xbf: {  	[tilespmem:$0x10180] =	vst v9  }
0xc0: {  	[tilespmem:$0x10110] =	vst v10  }
0xc1: {  	[tilespmem:$0x10190] =	vst v9  }
0xc2: {  	[tilespmem:$0x10120] =	vst v11  }
0xc3: {  	[tilespmem:$0x101A0] =	vst v9  }
0xc4: {  	[tilespmem:$0x10130] =	vst v12  }
0xc5: {  	[tilespmem:$0x101B0] =	vst v9  }
0xc6: {  	[tilespmem:$0x10140] =	vst v13  }
0xc7: {  	[tilespmem:$0x101C0] =	vst v9  }
0xc8: {  	[tilespmem:$0x10150] =	vst v14  }
.Ltmp4:
0xc9: {  	[tilespmem:$0x101D0] =	vst v9;
	(pc) =	sbr.rel .LBB2_5-.Ltmp4, $4  }
0xca: {  	[tilespmem:$0x10160] =	vst v15  }
0xcb: {  	[tilespmem:$0x101E0] =	vst v9  }
0xcc: {  	[tilespmem:$0x10170] =	vst v16  }
0xcd: {  	s18 =	simm.s32 $0x0;
	s17 =	simm.f32 $0.0e+00;
	[tilespmem:$0x101F0] =	vst v9  }
.LBB2_6:
0xce: {  	v22 =	vpsel p0, v20, v20  }
0xcf: {  	s20 =	smov.u32 @p0 s20;
	s19 =	smov.u32 @p0 s19;
	v20 =	vpsel p0, v19, v19;
	v18 =	vpsel p0, v18, v18;
	v19 =	vpsel p0, v21, v21  }
.LBB2_9:
0xd0: {  	vm2 =	veq.s32 v18, v19  }
0xd1: {  	v21 =	vsel vm2, $0x1, v9  }
0xd2: {  	v21 =	vor.u32 $0x80000000, v21  }
0xd3: {  	v22 =	vshll.u32 v22, $0x7;
	(xrf0) =	vmax.scan.msk.u32 $0xffff, v21  }
0xd4: {  	v58 =	vbroadcast v22, $0x0;
	_ =	sdelay $0x1  }
0xd5: {  	v21 =	vadd.s32 v20, v58  }
0xd6: {  	v23 =	vand.u32 $0x7F, v20;
	v59 =	vand.u32 $0xFFFFFF80, v21  }
0xd7: {  	v22 =	vor.u32 v23, v59  }
0xd8: {  	v22 =	vadd.s32 $0x4000, v22;
	v60, _, _ =	vpop (xrf0)  }
0xd9: {  	(v2sf) =	vpush v60, $0xF;
	_ =	sdelay $0x3  }
0xda: {  	v22 =	vld.idx.msk [tilespmem:v22+s2+$0x0], $0xffff  }
0xdb: {  	v21 =	vld.idx.msk [tilespmem:v21+s2+$0x0], $0xffff;
	_ =	sdelay $0x2  }
0xdc: {  	s21 =	smul.u32 $0x3, s18  }
0xdd: {  	vm2 =	veq.f32 v22, s19  }
0xde: {  	v61 =	vadd.s32 s21, v0;
	vm3 =	veq.f32 v21, s19;
	v62 =	vsel vm2, $0x1, v17  }
0xdf: {  	v21 =	vsel vm3, $0x0, v62  }
0xe0: {  	p0 =	sgt.f32 s19, $-Inf;
	vm2 =	veq.s32 v0, $0x0;
	v63 =	vsel vm0, v21, v20  }
0xe1: {  	v20 =	vsel vm2, s20, v63  }
0xe2: {  	v20 =	vpsel !p0, $0x0, v20  }
0xe3: {  	[tilespmem:v61+s14+$0x0] =	vst.idx.msk $0x7, v20;
	s31 =	spop (v2sf)  }
0xe4: {  	v20 =	vld [tilespmem:$0x10100];
	p1 =	sgt.u32 s31, $0x80000000  }
0xe5: {  	v21 =	vld @p1 [tilespmem:$0x10180]  }
0xe6: {  	v22 =	vld @p1 [tilespmem:$0x10110]  }
0xe7: {  	v23 =	vld @p1 [tilespmem:$0x10190]  }
0xe8: {  	v24 =	vld @p1 [tilespmem:$0x10120]  }
0xe9: {  	v25 =	vld @p1 [tilespmem:$0x101A0]  }
0xea: {  	v26 =	vld @p1 [tilespmem:$0x10130]  }
0xeb: {  	v27 =	vld @p1 [tilespmem:$0x101B0]  }
0xec: {  	v28 =	vld @p1 [tilespmem:$0x10140]  }
0xed: {  	v29 =	vld @p1 [tilespmem:$0x101C0]  }
0xee: {  	v30 =	vld @p1 [tilespmem:$0x10150]  }
0xef: {  	v31 =	vld @p1 [tilespmem:$0x101D0]  }
0xf0: {  	v32 =	vld @p1 [tilespmem:$0x10160];
	vm2 =	veq.s32 @p1 v20, v18  }
0xf1: {  	v21 =	vsel @p1 vm2, $0x1, v21;
	vm2 =	veq.s32 @p1 v22, v18;
	v22 =	vld @p1 [tilespmem:$0x101E0]  }
0xf2: {  	[tilespmem:$0x10180] =	vst @p1 v21;
	v21 =	vsel @p1 vm2, $0x1, v23;
	vm2 =	veq.s32 @p1 v24, v18;
	v23 =	vld @p1 [tilespmem:$0x10170]  }
0xf3: {  	v24 =	vld @p1 [tilespmem:$0x101F0];
	[tilespmem:$0x10190] =	vst @p1 v21;
	v21 =	vsel @p1 vm2, $0x1, v25;
	vm2 =	veq.s32 @p1 v26, v18  }
0xf4: {  	v25 =	vld @!p1 [tilespmem:$0x10110];
	[tilespmem:$0x101A0] =	vst @p1 v21;
	v21 =	vsel @p1 vm2, $0x1, v27;
	vm2 =	veq.s32 @p1 v28, v18  }
0xf5: {  	v26 =	vld @!p1 [tilespmem:$0x10120];
	[tilespmem:$0x101B0] =	vst @p1 v21;
	v21 =	vsel @p1 vm2, $0x1, v29;
	vm2 =	veq.s32 @p1 v30, v18  }
0xf6: {  	v27 =	vld @!p1 [tilespmem:$0x10130];
	[tilespmem:$0x101C0] =	vst @p1 v21;
	v21 =	vsel @p1 vm2, $0x1, v31;
	vm2 =	veq.s32 @p1 v32, v18  }
0xf7: {  	[tilespmem:$0x101D0] =	vst @p1 v21;
	v21 =	vsel @p1 vm2, $0x1, v22;
	vm2 =	veq.s32 @p1 v23, v18;
	v22 =	vld @!p1 [tilespmem:$0x10140]  }
0xf8: {  	v23 =	vld @!p1 [tilespmem:$0x10150];
	[tilespmem:$0x101E0] =	vst @p1 v21;
	v21 =	vsel @p1 vm2, $0x1, v24;
	vm2 =	veq.s32 @!p1 v20, v19  }
0xf9: {  	[tilespmem:$0x101F0] =	vst @p1 v21;
	v20 =	vsel @!p1 vm2, v18, v20;
	vm2 =	veq.s32 @!p1 v25, v19;
	v21 =	vld @!p1 [tilespmem:$0x10160]  }
0xfa: {  	v24 =	vld @!p1 [tilespmem:$0x10170];
	[tilespmem:$0x10100] =	vst @!p1 v20;
	v20 =	vsel @!p1 vm2, v18, v25;
	vm2 =	veq.s32 @!p1 v26, v19  }
0xfb: {  	s18 =	sadd.s32 $0x1, s18;
	[tilespmem:$0x10110] =	vst @!p1 v20;
	v20 =	vsel @!p1 vm2, v18, v26;
	vm2 =	veq.s32 @!p1 v27, v19  }
0xfc: {  	s19 =	simm.s32 @!p0 $0x0;
	p0 =	sne.s32 s18, $0x80;
	[tilespmem:$0x10120] =	vst @!p1 v20;
	v20 =	vsel @!p1 vm2, v18, v27;
	vm2 =	veq.s32 @!p1 v22, v19  }
.Ltmp5:
0xfd: {  	[tilespmem:$0x10130] =	vst @!p1 v20;
	v20 =	vsel @!p1 vm2, v18, v22;
	vm2 =	veq.s32 @!p1 v23, v19;
	(pc) =	sbr.rel @!p0 .LBB2_10-.Ltmp5, $4  }
0xfe: {  	[tilespmem:$0x10140] =	vst @!p1 v20;
	v20 =	vsel @!p1 vm2, v18, v23;
	vm2 =	veq.s32 @!p1 v21, v19  }
0xff: {  	[tilespmem:$0x10150] =	vst @!p1 v20;
	v20 =	vsel @!p1 vm2, v18, v21;
	vm2 =	veq.s32 @!p1 v24, v19  }
0x100: {  	s17 =	sadd.f32 s19, s17;
	[tilespmem:$0x10160] =	vst @!p1 v20;
	v18 =	vsel @!p1 vm2, v18, v24  }
0x101: {  	[tilespmem:$0x10170] =	vst @!p1 v18  }
.LBB2_5:
0x102: {  	v18 =	vld [tilespmem:$0x10000]  }
0x103: {  	v19 =	vld [tilespmem:$0x10010];
	_ =	sdelay $0x1  }
0x104: {  	v20 =	vld [tilespmem:$0x10020];
	_ =	sdelay $0x1  }
0x105: {  	v21 =	vld [tilespmem:$0x10030]  }
0x106: {  	vm2 =	vgt.f32 v19, v18  }
0x107: {  	v18 =	vsel vm2, v19, v18;
	v19 =	vld [tilespmem:$0x10040]  }
0x108: {  	vm3 =	vgt.f32 v20, v18  }
0x109: {  	v18 =	vsel vm3, v20, v18;
	v20 =	vld [tilespmem:$0x10050]  }
0x10a: {  	vm4 =	vgt.f32 v21, v18  }
0x10b: {  	v18 =	vsel vm4, v21, v18;
	v21 =	vld [tilespmem:$0x10060]  }
0x10c: {  	vm5 =	vgt.f32 v19, v18  }
0x10d: {  	v18 =	vsel vm5, v19, v18;
	v19 =	vld [tilespmem:$0x10070]  }
0x10e: {  	vm6 =	vgt.f32 v20, v18  }
0x10f: {  	v18 =	vsel vm6, v20, v18  }
0x110: {  	vm7 =	vgt.f32 v21, v18  }
0x111: {  	v18 =	vsel vm7, v21, v18  }
0x112: {  	vm8 =	vgt.f32 v19, v18  }
0x113: {  	v18 =	vsel vm8, v19, v18  }
0x114: {  	(xrf0) =	vmax.scan.msk.f32 $0xffff, v18;
	_ =	sdelay $0x2  }
0x115: {  	v19 =	vsel vm2, v2, v1  }
0x116: {  	v19 =	vsel vm3, v3, v19  }
0x117: {  	v19 =	vsel vm4, v4, v19  }
0x118: {  	v19 =	vsel vm5, v5, v19;
	v20, _, _ =	vpop (xrf0)  }
0x119: {  	v19 =	vsel vm6, v6, v19;
	v21 =	vbroadcast v20, $0xF  }
0x11a: {  	v19 =	vsel vm7, v7, v19  }
0x11b: {  	vm2 =	veq.f32 v18, v21;
	v18 =	vsel vm8, v8, v19  }
0x11c: {  	v18 =	vnsel vm2, $0xC0000000, v18  }
0x11d: {  	(xrf0) =	vmin.scan.msk.u32 $0xffff, v18;
	_ =	sdelay $0x5  }
0x11e: {  	(v2sf) =	vpush v20, $0xF;
	v18, _, _ =	vpop (xrf0)  }
0x11f: {  	(v2sf) =	vpush v18, $0xF;
	_ =	sdelay $0xd  }
0x120: {  	s19 =	spop (v2sf)  }
0x121: {  	p0 =	seq.f32 s19, $-Inf;
	s20 =	spop (v2sf)  }
0x122: {  	s20 =	sxor.u32 $0x80000000, s20  }
0x123: {  	s20 =	simm.s32 @p0 $0x0  }
0x124: {  	v20 =	vmov s20;
	_ =	sdelay $0x4  }
0x125: {  	v18 =	vld.idx.msk [tilespmem:v20+s11+$0x0], $0xffff;
	_ =	sdelay $0x4  }
0x126: {  	v19 =	vpsel p0, $0x0, v18;
	_ =	sdelay $0x2  }
0x127: {  	v22 =	vld.idx.msk [tilespmem:v20+s13+$0x0], $0xffff  }
0x128: {  	v18 =	vld.idx.msk [tilespmem:v20+s12+$0x0], $0xffff  }
0x129: {  	v21 =	vld.idx.msk [tilespmem:v19+s12+$0x0], $0xffff;
	_ =	sdelay $0x3  }
0x12a: {  	vm2 =	veq.s32 v20, v19  }
0x12b: {  	vm14 =	veq.s32 v22, $0x0;
	vm15 =	vmneg vm2;
	vm3 =	vne.s32 v18, v21  }
0x12c: {  	vm2 =	vmand vm2, vm14;
	vm3 =	vmand vm15, vm3  }
0x12d: {  	vm2 =	vmor vm2, vm3  }
0x12e: {  	v22 =	vsel vm2, $0x1, v9  }
0x12f: {  	v22 =	vor.u32 $0x80000000, v22  }
0x130: {  	(xrf0) =	vmax.scan.msk.u32 $0xffff, v22;
	_ =	sdelay $0x5  }
0x131: {  	v22, _, _ =	vpop (xrf0)  }
0x132: {  	(v2sf) =	vpush v22, $0xF;
	_ =	sdelay $0xe  }
0x133: {  	s21 =	spop (v2sf)  }
0x134: {  	p1 =	sgt.u32 @!p0 s21, $0x80000000  }
0x135: {  	p1 =	por p0, p1  }
.Ltmp6:
0x136: {  	_ = 	snop;
	(pc) =	sbr.rel @p1 .LBB2_6-.Ltmp6, $1  }
0x137: {  	_ =	sdelay $0x3  }
.LBB2_7:
0x138: {  	v19 =	vmov s20;
	_ =	sdelay $0x1  }
0x139: {  	v21 =	vld [tilespmem:$0x10100]  }
0x13a: {  	v23 =	vld [tilespmem:$0x10110]  }
0x13b: {  	v24 =	vld [tilespmem:$0x10120]  }
0x13c: {  	v20 =	vld.idx.msk [tilespmem:v19+s13+$0x0], $0xffff  }
0x13d: {  	s19 =	sshll.u32 s20, $0x9;
	v25 =	vld [tilespmem:$0x10130]  }
0x13e: {  	v26 =	vld [tilespmem:$0x10140];
	s19 =	sshra.s32 s19, $0x2  }
0x13f: {  	v22 =	vld [tilespmem:s19+$0xC000]  }
0x140: {  	vm4 =	vne.s32 v21, v18;
	v21 =	vld [tilespmem:$0x10160]  }
0x141: {  	vm2 =	veq.s32 v20, $0x0;
	v20 =	vld [tilespmem:$0x10150];
	_ =	sdelay $0x1  }
0x142: {  	v27 =	vld [tilespmem:$0x10170];
	vm3 =	veq.s32 v19, v0;
	vm11 =	veq.s32 v19, v10;
	vm12 =	veq.s32 v19, v11  }
0x143: {  	vm15 =	vne.s32 v23, v18;
	vm7 =	vne.s32 v24, v18;
	v23 =	vld [tilespmem:s19+$0xC010];
	vm3 =	vmand vm3, vm2  }
0x144: {  	vm9 =	vne.s32 v25, v18;
	vm10 =	vne.s32 v26, v18;
	vm3 =	vmor vm4, vm3  }
0x145: {  	vm5 =	vne.s32 v21, v18;
	v22 =	vnsel vm3, $0xFF800000, v22;
	vm8 =	vne.s32 v20, v18;
	v20 =	vld [tilespmem:s19+$0xC020]  }
0x146: {  	vm11 =	vmand vm11, vm2;
	vm3 =	vlt.f32 v22, $-Inf;
	vm6 =	vgt.f32 v22, $-Inf  }
0x147: {  	vm4 =	vmor vm11, vm15;
	vm3 =	vmor vm6, vm3;
	vm6 =	vne.s32 v27, v18;
	v18 =	vld [tilespmem:s19+$0xC030]  }
0x148: {  	vm11 =	vmand vm12, vm2;
	v21 =	vnsel vm3, $0xFF800000, v22;
	v22 =	vnsel vm4, $0xFF800000, v23  }
0x149: {  	vm13 =	veq.s32 v19, v12;
	vm7 =	vmor vm11, vm7;
	v23 =	vld [tilespmem:s19+$0xC040];
	vm4 =	vgt.f32 v22, v21  }
0x14a: {  	vm11 =	vmand vm13, vm2;
	v21 =	vsel vm4, v22, v21;
	v20 =	vnsel vm7, $0xFF800000, v20  }
0x14b: {  	vm14 =	veq.s32 v19, v13;
	vm9 =	vmor vm11, vm9;
	v22 =	vld [tilespmem:s19+$0xC050];
	vm7 =	vgt.f32 v20, v21  }
0x14c: {  	vm15 =	vmand vm14, vm2;
	v18 =	vnsel vm9, $0xFF800000, v18;
	v20 =	vsel vm7, v20, v21  }
0x14d: {  	vm12 =	veq.s32 v19, v14;
	vm9 =	vmor vm15, vm10;
	v21 =	vld [tilespmem:s19+$0xC060];
	vm11 =	vgt.f32 v18, v20  }
0x14e: {  	vm13 =	vmand vm12, vm2;
	v18 =	vsel vm11, v18, v20;
	v20 =	vnsel vm9, $0xFF800000, v23  }
0x14f: {  	vm14 =	veq.s32 v19, v15;
	vm8 =	vmor vm13, vm8;
	v23 =	vld [tilespmem:s19+$0xC070];
	vm10 =	vgt.f32 v20, v18  }
0x150: {  	vm15 =	vmand vm14, vm2;
	v18 =	vsel vm10, v20, v18;
	v20 =	vnsel vm8, $0xFF800000, v22  }
0x151: {  	vm13 =	veq.s32 v19, v16;
	vm5 =	vmor vm15, vm5;
	vm12 =	vgt.f32 v20, v18  }
0x152: {  	vm2 =	vmand vm13, vm2;
	v18 =	vsel vm12, v20, v18;
	v20 =	vnsel vm5, $0xFF800000, v21  }
0x153: {  	vm2 =	vmor vm2, vm6;
	vm5 =	vgt.f32 v20, v18  }
0x154: {  	v18 =	vsel vm5, v20, v18;
	v20 =	vnsel vm2, $0xFF800000, v23  }
0x155: {  	vm2 =	vgt.f32 v20, v18  }
0x156: {  	v18 =	vsel vm2, v20, v18  }
0x157: {  	(xrf0) =	vmax.scan.msk.f32 $0xffff, v18;
	_ =	sdelay $0x1  }
0x158: {  	v20 =	vnsel vm3, $0x80000000, v1  }
0x159: {  	v20 =	vsel vm4, v2, v20  }
0x15a: {  	v20 =	vsel vm7, v3, v20  }
0x15b: {  	v20 =	vsel vm11, v4, v20  }
0x15c: {  	v20 =	vsel vm10, v5, v20;
	v21, _, _ =	vpop (xrf0)  }
0x15d: {  	v20 =	vsel vm12, v6, v20;
	v22 =	vbroadcast v21, $0xF  }
0x15e: {  	v20 =	vsel vm5, v7, v20  }
0x15f: {  	vm3 =	veq.f32 v18, v22;
	v18 =	vsel vm2, v8, v20  }
0x160: {  	v18 =	vnsel vm3, $0xC0000000, v18  }
0x161: {  	(xrf0) =	vmin.scan.msk.u32 $0xffff, v18;
	_ =	sdelay $0x5  }
0x162: {  	(v2sf) =	vpush v21, $0xF;
	v18, _, _ =	vpop (xrf0)  }
0x163: {  	(v2sf) =	vpush v18, $0xF;
	_ =	sdelay $0xd  }
0x164: {  	s29 =	spop (v2sf)  }
0x165: {  	p0 =	seq.f32 s29, $-Inf;
	s30 =	spop (v2sf)  }
0x166: {  	s19 =	sxor.u32 $0x80000000, s30  }
0x167: {  	s19 =	simm.s32 @p0 $0x0  }
0x168: {  	[tilespmem:v19+s10+$0x0] =	vst.idx.msk $0x1, v22;
	v18 =	vmov s19  }
0x169: {  	[tilespmem:v19+s11+$0x0] =	vst.idx.msk $0x1, v18  }
0x16a: {  	v18 =	vld [tilespmem:$0x10000]  }
0x16b: {  	v19 =	vld [tilespmem:$0x10010];
	_ =	sdelay $0x1  }
0x16c: {  	v20 =	vld [tilespmem:$0x10020];
	_ =	sdelay $0x1  }
0x16d: {  	v21 =	vld [tilespmem:$0x10030]  }
0x16e: {  	vm2 =	vgt.f32 v19, v18  }
0x16f: {  	v18 =	vsel vm2, v19, v18;
	v19 =	vld [tilespmem:$0x10040]  }
0x170: {  	vm3 =	vgt.f32 v20, v18  }
0x171: {  	v18 =	vsel vm3, v20, v18;
	v20 =	vld [tilespmem:$0x10050]  }
0x172: {  	vm4 =	vgt.f32 v21, v18  }
0x173: {  	v18 =	vsel vm4, v21, v18;
	v21 =	vld [tilespmem:$0x10060]  }
0x174: {  	vm14 =	vgt.f32 v19, v18  }
0x175: {  	v18 =	vsel vm14, v19, v18;
	v19 =	vld [tilespmem:$0x10070]  }
0x176: {  	vm15 =	vgt.f32 v20, v18  }
0x177: {  	v18 =	vsel vm15, v20, v18  }
0x178: {  	vm12 =	vgt.f32 v21, v18  }
0x179: {  	v18 =	vsel vm12, v21, v18  }
0x17a: {  	vm13 =	vgt.f32 v19, v18  }
0x17b: {  	v18 =	vsel vm13, v19, v18  }
0x17c: {  	(xrf0) =	vmax.scan.msk.f32 $0xffff, v18;
	_ =	sdelay $0x2  }
0x17d: {  	v19 =	vsel vm2, v2, v1  }
0x17e: {  	v19 =	vsel vm3, v3, v19  }
0x17f: {  	v19 =	vsel vm4, v4, v19  }
0x180: {  	v19 =	vsel vm14, v5, v19;
	v20, _, _ =	vpop (xrf0)  }
0x181: {  	v19 =	vsel vm15, v6, v19;
	v21 =	vbroadcast v20, $0xF  }
0x182: {  	v19 =	vsel vm12, v7, v19  }
0x183: {  	vm2 =	veq.f32 v18, v21;
	v18 =	vsel vm13, v8, v19  }
0x184: {  	v18 =	vnsel vm2, $0xC0000000, v18  }
0x185: {  	(xrf0) =	vmin.scan.msk.u32 $0xffff, v18;
	_ =	sdelay $0x5  }
0x186: {  	(v2sf) =	vpush v20, $0xF;
	v18, _, _ =	vpop (xrf0)  }
0x187: {  	(v2sf) =	vpush v18, $0xF;
	_ =	sdelay $0xd  }
0x188: {  	s19 =	spop (v2sf)  }
0x189: {  	p0 =	seq.f32 s19, $-Inf;
	s31 =	spop (v2sf)  }
0x18a: {  	s20 =	sxor.u32 $0x80000000, s31  }
0x18b: {  	s20 =	simm.s32 @p0 $0x0  }
0x18c: {  	v20 =	vmov s20;
	_ =	sdelay $0x4  }
0x18d: {  	v18 =	vld.idx.msk [tilespmem:v20+s11+$0x0], $0xffff;
	_ =	sdelay $0x4  }
0x18e: {  	v19 =	vpsel p0, $0x0, v18;
	_ =	sdelay $0x2  }
0x18f: {  	v22 =	vld.idx.msk [tilespmem:v20+s13+$0x0], $0xffff  }
0x190: {  	v18 =	vld.idx.msk [tilespmem:v20+s12+$0x0], $0xffff  }
0x191: {  	v21 =	vld.idx.msk [tilespmem:v19+s12+$0x0], $0xffff;
	_ =	sdelay $0x3  }
0x192: {  	vm2 =	veq.s32 v20, v19  }
0x193: {  	vm14 =	veq.s32 v22, $0x0;
	vm15 =	vmneg vm2;
	vm3 =	vne.s32 v18, v21  }
0x194: {  	vm2 =	vmand vm2, vm14;
	vm3 =	vmand vm15, vm3  }
0x195: {  	vm2 =	vmor vm2, vm3  }
0x196: {  	v22 =	vsel vm2, $0x1, v9  }
0x197: {  	v22 =	vor.u32 $0x80000000, v22  }
0x198: {  	(xrf0) =	vmax.scan.msk.u32 $0xffff, v22;
	_ =	sdelay $0x5  }
0x199: {  	v22, _, _ =	vpop (xrf0)  }
0x19a: {  	(v2sf) =	vpush v22, $0xF;
	_ =	sdelay $0xe  }
0x19b: {  	s21 =	spop (v2sf)  }
0x19c: {  	p1 =	slt.u32 @!p0 s21, $0x80000001  }
0x19d: {  	p1 =	por p0, !p1  }
.Ltmp7:
0x19e: {  	_ = 	snop;
	(pc) =	sbr.rel @!p1 .LBB2_7-.Ltmp7, $1  }
0x19f: {  	_ =	sdelay $0x3  }
.Ltmp8:
0x1a0: {  	(pc) =	sbr.rel .LBB2_9-.Ltmp8, $3  }
0x1a1: {  	_ =	sdelay $0x1  }
0x1a2: {  	v22 =	vpsel p0, v20, v20  }
0x1a3: {  	s20 =	smov.u32 @p0 s20;
	s19 =	smov.u32 @p0 s19;
	v20 =	vpsel p0, v19, v19;
	v18 =	vpsel p0, v18, v18;
	v19 =	vpsel p0, v21, v21  }
.LBB2_11:
0x1a4: {  	_ =	sfence.sel $0x180000  }
0x1a5: {  	[bflag:$0x0] =	sbarrier.arrive $0xFFFF  }
0x1a6: {  	p0 =	sne.s32 s1, $0x0;
	_ =	strace $0x90000047  }
0x1a7: {  	s0 =	sadd.s32 @!p0 $0x100000, s0;
	[bflag:$0x2] =	sbarrier.arrive $0xFFFF  }
0x1a8: {  	[sflag:s0] =	ssyncadd.tile.s32 @!p0 $0x1;
	_ =	shalt  }
.Lfunc_end2:
_tile_overlayer_lowered:
.L_overlay_start_2:
0x1a9: {  	(tag) =	ssettag $0x2  }
0x1aa: {  	s0 =	rddreg [dreg:$0x0];
	s2 =	stileid.u32  }
0x1ab: {  	s1 =	rddreg [dreg:$0x1];
	p0 =	sne.s32 s2, $0x0  }
0x1ac: {  	s3 =	rddreg [dreg:$0x2];
	[bflag:$0x3] =	sbarrier.arrive $0xFFFF;
	s2 =	simm.s32 @!p0 $0x1C01  }
0x1ad: {  	[timem:s3], [sflag:s2] =	dma.local @!p0 [hbm:s0], s1  }
0x1ae: {  	s0 =	simm.s32 @!p0 $0x1  }
0x1af: {  	_ =	swait.ge @!p0 [sflag:s0], s1  }
0x1b0: {  	s1 =	ssub.s32 @!p0 $0x0, s1;
	[sflag:s0] =	ssyncset.done @!p0 $0x0  }
0x1b1: {  	[sflag:s0] =	ssyncadd.s32 @!p0 s1  }
0x1b2: {  	[bflag:$0x3] =	sbarrier.arrive $0xFFFF  }
0x1b3: {  	_ =	shalt  }

</sc_bundles>
